<compile_context>
chip_gen: v7x
topology: tpu7x:2x2x1
jax: 0.10.2.dev20260603
libtpu: 0.0.44.dev20260713+nightly
codegen_flags: <defaults>
</compile_context>

<pallas_src>
import functools

import jax
import jax.numpy as jnp
from jax import lax
from jax.experimental import pallas as pl
from jax.experimental.pallas import tpu as pltpu
from jax.experimental.pallas import tpu_sc as plsc

N_NODES = 10000
N_EDGES = 320000
D_IN = 128
D_DEG = 16
D_OUT = 128

NC = 2
NS = 16
NW = NC * NS
EDGES_PER_WORKER = N_EDGES // NW
CHUNK = 80
N_CHUNKS = EDGES_PER_WORKER // CHUNK
N_ACC = 10240
ROWS_PER_TILE = N_ACC // NS
NROW = 3
NIDX = 4
CPRE = 6000
SPLIT_CHUNK = CPRE // CHUNK
CRE = EDGES_PER_WORKER - CPRE
RELOAD_AT = 50
RELOAD_WAIT_AT = SPLIT_CHUNK - 1

_mesh = plsc.VectorSubcoreMesh(
    core_axis_name="c", subcore_axis_name="s", num_cores=NC, num_subcores=NS
)


@functools.partial(
    pl.kernel,
    out_type=(
        jax.ShapeDtypeStruct((NC * N_ACC, D_IN), jnp.float32),
        jax.ShapeDtypeStruct((NC * N_ACC, D_DEG), jnp.float32),
    ),
    mesh=_mesh,
    scratch_types=[
        pltpu.VMEM((NIDX, CHUNK), jnp.int32),
        pltpu.VMEM((CPRE,), jnp.int32),
        pltpu.VMEM((NROW, CHUNK, D_IN), jnp.float32),
        pltpu.VMEM((CHUNK, D_DEG), jnp.float32),
        pltpu.VMEM_SHARED((N_ACC, D_IN), jnp.float32),
        pltpu.VMEM_SHARED((N_ACC, D_DEG), jnp.float32),
        pltpu.SemaphoreType.DMA,
        pltpu.SemaphoreType.DMA,
        pltpu.SemaphoreType.DMA,
        pltpu.SemaphoreType.DMA,
        pltpu.SemaphoreType.DMA,
    ],
    compiler_params=pltpu.CompilerParams(use_tc_tiling_on_sc=False),
)
def _sc_aggregate(x_hbm, edge_hbm, feat_hbm, deg_hbm, ridx_v, cidx_v, rows_v,
                  ones_v, feat_sh, deg_sh, sem_g, sem_s, sem_d, sem_ir,
                  sem_ic):
    c = lax.axis_index("c")
    s = lax.axis_index("s")
    wid = s * NC + c
    ebase = wid * EDGES_PER_WORKER

    def _load_idx(i, b):
        off = ebase + i * CHUNK
        pltpu.async_copy(edge_hbm.at[0, pl.ds(off, CHUNK)], ridx_v.at[b],
                         sem_ir)

    def _wait_ridx():
        pltpu.make_async_copy(edge_hbm.at[0, pl.ds(0, CHUNK)], ridx_v.at[0],
                              sem_ir).wait()

    def _gather(i, b):
        off = pl.multiple_of(
            jnp.where(i < SPLIT_CHUNK, i * CHUNK, (i - SPLIT_CHUNK) * CHUNK),
            8)
        pltpu.async_copy(x_hbm.at[cidx_v.at[pl.ds(off, CHUNK)]], rows_v.at[b],
                         sem_g)

    def _wait_gather():
        pltpu.make_async_copy(x_hbm.at[cidx_v.at[pl.ds(0, CHUNK)]],
                              rows_v.at[0], sem_g).wait()

    def _wait_scatters():
        pltpu.make_async_copy(
            rows_v.at[0], feat_sh.at[ridx_v.at[0]], sem_s).wait()
        pltpu.make_async_copy(
            ones_v, deg_sh.at[ridx_v.at[0]], sem_d).wait()

    pltpu.async_copy(edge_hbm.at[1, pl.ds(ebase, CPRE)], cidx_v, sem_ic)
    _load_idx(0, 0)
    _load_idx(1, 1)

    def _zero_row(i, carry):
        for j in range(D_IN // 16):
            rows_v[0, i, pl.ds(j * 16, 16)] = jnp.zeros((16,), jnp.float32)
        ones_v[i, :] = jnp.zeros((D_DEG,), jnp.float32)
        return carry

    lax.fori_loop(0, CHUNK, _zero_row, 0)
    row_base = pl.multiple_of(s * ROWS_PER_TILE, 8)
    for k in range(ROWS_PER_TILE // CHUNK):
        pltpu.async_copy(rows_v.at[0],
                         feat_sh.at[pl.ds(row_base + k * CHUNK, CHUNK)], sem_s)
        pltpu.async_copy(ones_v, deg_sh.at[pl.ds(row_base + k * CHUNK, CHUNK)],
                         sem_d)
    for k in range(ROWS_PER_TILE // CHUNK):
        pltpu.make_async_copy(
            rows_v.at[0], feat_sh.at[pl.ds(row_base, CHUNK)], sem_s).wait()
        pltpu.make_async_copy(
            ones_v, deg_sh.at[pl.ds(row_base, CHUNK)], sem_d).wait()

    def _fill_ones(i, carry):
        ones_v[i, :] = jnp.ones((D_DEG,), jnp.float32)
        return carry

    lax.fori_loop(0, CHUNK, _fill_ones, 0)

    pltpu.make_async_copy(edge_hbm.at[1, pl.ds(ebase, CPRE)], cidx_v,
                          sem_ic).wait()
    _gather(0, 0)
    plsc.subcore_barrier()

    def _edge_chunk(i, carry):
        @pl.when(i >= 2)
        def _():
            _wait_scatters()

        @pl.when(i == RELOAD_AT)
        def _():
            pltpu.async_copy(edge_hbm.at[1, pl.ds(ebase + CPRE, CRE)],
                             cidx_v.at[pl.ds(0, CRE)], sem_ic)

        @pl.when(i == RELOAD_WAIT_AT)
        def _():
            pltpu.make_async_copy(edge_hbm.at[1, pl.ds(ebase + CPRE, CRE)],
                                  cidx_v.at[pl.ds(0, CRE)], sem_ic).wait()

        @pl.when(i + 1 < N_CHUNKS)
        def _():
            _gather(i + 1, lax.rem(i + 1, NROW))

        @pl.when(i + 2 < N_CHUNKS)
        def _():
            _load_idx(i + 2, lax.rem(i + 2, NIDX))

        _wait_gather()
        _wait_ridx()
        p = lax.rem(i, NROW)
        b = lax.rem(i, NIDX)
        pltpu.async_copy(rows_v.at[p], feat_sh.at[ridx_v.at[b]], sem_s,
                         add=True)
        pltpu.async_copy(ones_v, deg_sh.at[ridx_v.at[b]], sem_d, add=True)
        return carry

    lax.fori_loop(0, N_CHUNKS, _edge_chunk, 0)
    _wait_scatters()
    _wait_scatters()
    plsc.subcore_barrier()

    out_base = pl.multiple_of(c * N_ACC + row_base, 8)
    pltpu.async_copy(feat_sh.at[pl.ds(row_base, ROWS_PER_TILE)],
                     feat_hbm.at[pl.ds(out_base, ROWS_PER_TILE)], sem_s)
    pltpu.async_copy(deg_sh.at[pl.ds(row_base, ROWS_PER_TILE)],
                     deg_hbm.at[pl.ds(out_base, ROWS_PER_TILE)], sem_d)
    pltpu.make_async_copy(
        feat_sh.at[pl.ds(row_base, ROWS_PER_TILE)],
        feat_hbm.at[pl.ds(out_base, ROWS_PER_TILE)], sem_s).wait()
    pltpu.make_async_copy(
        deg_sh.at[pl.ds(row_base, ROWS_PER_TILE)],
        deg_hbm.at[pl.ds(out_base, ROWS_PER_TILE)], sem_d).wait()


TC_BLK = 5120


def _tc_finalize(fa_ref, fb_ref, da_ref, db_ref, wlin_ref, blin_ref, wsq_ref,
                 out_ref):
    f = fa_ref[...] + fb_ref[...]
    d = da_ref[:, 0:1] + db_ref[:, 0:1]
    norm = f / jnp.maximum(d, 1.0)
    h = lax.dot_general(norm, wlin_ref[...], (((1,), (1,)), ((), ())),
                        preferred_element_type=jnp.float32)
    h = h + blin_ref[...]
    out_ref[...] = jnp.dot(h, wsq_ref[...], preferred_element_type=jnp.float32)


def kernel(x, edge_index, W_lin, b_lin, weight):
    feat, deg = _sc_aggregate(x, edge_index.astype(jnp.int32))
    nblk_half = N_ACC // TC_BLK
    out = pl.pallas_call(
        _tc_finalize,
        grid=((N_NODES + TC_BLK - 1) // TC_BLK,),
        in_specs=[
            pl.BlockSpec((TC_BLK, D_IN), lambda i: (i, 0)),
            pl.BlockSpec((TC_BLK, D_IN), lambda i: (i + nblk_half, 0)),
            pl.BlockSpec((TC_BLK, D_DEG), lambda i: (i, 0)),
            pl.BlockSpec((TC_BLK, D_DEG), lambda i: (i + nblk_half, 0)),
            pl.BlockSpec((D_OUT, D_IN), lambda i: (0, 0)),
            pl.BlockSpec((1, D_OUT), lambda i: (0, 0)),
            pl.BlockSpec((D_OUT, D_OUT), lambda i: (0, 0)),
        ],
        out_specs=pl.BlockSpec((TC_BLK, D_OUT), lambda i: (i, 0)),
        out_shape=jax.ShapeDtypeStruct((N_NODES, D_OUT), jnp.float32),
    )(feat, feat, deg, deg, W_lin, b_lin.reshape(1, D_OUT), weight)
    return out

# --- scband reference (transcript-rebuilt; emitter-appended) ---
"""Pipeline reference for scband-sagefeature-propagation-13778255085922 (READ-ONLY COPY).

The authoritative reference and input builder live on the scoring server;
editing this copy changes nothing except your own understanding.
"""

import jax, jax.numpy as jnp
import numpy as np

N_NODES = 10000
N_EDGES = 320000
D_IN = 128
D_OUT = 128


def setup_inputs(seed: int = 0) -> dict:
    key = jax.random.key(seed)
    k1, k2, k3, k4, k5 = jax.random.split(key, 5)
    x = jax.random.normal(k1, (N_NODES, D_IN), dtype=jnp.float32)
    edge_index = jax.random.randint(k2, (2, N_EDGES), 0, N_NODES, dtype=jnp.int64)
    # xavier-uniform-like init for linear weight and square weight
    lim_lin = float(np.sqrt(6.0 / (D_IN + D_OUT)))
    W_lin = jax.random.uniform(k3, (D_OUT, D_IN), minval=-lim_lin, maxval=lim_lin, dtype=jnp.float32)
    b_lin = jnp.zeros((D_OUT,), dtype=jnp.float32)
    lim_w = float(np.sqrt(6.0 / (D_OUT + D_OUT)))
    weight = jax.random.uniform(k4, (D_OUT, D_OUT), minval=-lim_w, maxval=lim_w, dtype=jnp.float32)
    return {"x": x, "edge_index": edge_index, "W_lin": W_lin, "b_lin": b_lin, "weight": weight}


def reference(x, edge_index, W_lin, b_lin, weight):
    row = edge_index[0]
    col = edge_index[1]
    # aggregator == 1: mean aggregation via scatter-add then divide by degree
    out = jnp.zeros_like(x).at[row].add(x[col])
    deg = jnp.bincount(row, length=x.shape[0]).clip(min=1)
    out = out / deg[:, None].astype(x.dtype)
    # linear layer: out @ W_lin.T + b_lin
    out = out @ W_lin.T + b_lin
    # final matmul with square weight
    out = out @ weight
    return out

if __name__ == "__main__":
    import jax
    _d = setup_inputs()
    print(jax.jit(kernel)(*tuple(_d.values())))

</pallas_src>

<mosaic_0001>
#map = affine_map<(d0, d1) -> (0, 0)>
module attributes {stable_mosaic.version = 14 : i64} {
  func.func @_sc_aggregate(%arg0: i32, %arg1: i32, %arg2: memref<10000x128xf32, #tpu.memory_space<hbm>>, %arg3: memref<2x320000xi32, #tpu.memory_space<hbm>>, %arg4: memref<20480x128xf32, #tpu.memory_space<hbm>>, %arg5: memref<20480x16xf32, #tpu.memory_space<hbm>>, %arg6: memref<4x80xi32, #tpu.memory_space<vmem>>, %arg7: memref<6000xi32, #tpu.memory_space<vmem>>, %arg8: memref<3x80x128xf32, #tpu.memory_space<vmem>>, %arg9: memref<80x16xf32, #tpu.memory_space<vmem>>, %arg10: memref<10240x128xf32, #tpu.memory_space<vmem_shared>>, %arg11: memref<10240x16xf32, #tpu.memory_space<vmem_shared>>, %arg12: memref<!tpu.dma_semaphore, #tpu.memory_space<semaphore_mem>>, %arg13: memref<!tpu.dma_semaphore, #tpu.memory_space<semaphore_mem>>, %arg14: memref<!tpu.dma_semaphore, #tpu.memory_space<semaphore_mem>>, %arg15: memref<!tpu.dma_semaphore, #tpu.memory_space<semaphore_mem>>, %arg16: memref<!tpu.dma_semaphore, #tpu.memory_space<semaphore_mem>>) attributes {dimension_semantics = [#tpu.dimension_semantics<core_parallel>, #tpu.dimension_semantics<subcore_parallel>], iteration_bounds = array<i64: 2, 16>, scalar_prefetch = 0 : i64, scratch_operands = 11 : i64, tpu.core_type = #tpu.core_type<sc_vector_subcore>, window_params = [{transform_indices = #map}, {transform_indices = #map}, {transform_indices = #map}, {transform_indices = #map}]} {
    %mul3A = arith.constant 2 : i32
    %mul3A_0 = arith.muli %arg1, %mul3A : i32
    %add3A = arith.addi %mul3A_0, %arg0 : i32
    %mul3A_1 = arith.constant 10000 : i32
    %mul3A_2 = arith.muli %add3A, %mul3A_1 : i32
    %dma_start3A = arith.constant 1 : i32
    %dma_start3A_3 = tpu.memref_slice %arg3[%dma_start3A, %mul3A_2] : memref<2x320000xi32, #tpu.memory_space<hbm>> -> memref<1x6000xi32, #tpu.memory_space<hbm>>
    %dma_start3A_4 = tpu.memref_squeeze %dma_start3A_3 : memref<1x6000xi32, #tpu.memory_space<hbm>> -> memref<6000xi32, #tpu.memory_space<hbm>>
    %dma_start3A_5 = tpu.memref_slice %arg3[%dma_start3A, %mul3A_2] : memref<2x320000xi32, #tpu.memory_space<hbm>> -> memref<1x6000xi32, #tpu.memory_space<hbm>>
    %dma_start3A_6 = tpu.memref_squeeze %dma_start3A_5 : memref<1x6000xi32, #tpu.memory_space<hbm>> -> memref<6000xi32, #tpu.memory_space<hbm>>
    tpu.enqueue_dma source(%dma_start3A_6 : memref<6000xi32, #tpu.memory_space<hbm>>) target(%arg7 : memref<6000xi32, #tpu.memory_space<vmem>>) target_semaphore(%arg16 : memref<!tpu.dma_semaphore, #tpu.memory_space<semaphore_mem>>)
    %add3A_7 = arith.constant 0 : i32
    %add3A_8 = arith.addi %mul3A_2, %add3A_7 : i32
    %dma_start3A_9 = arith.constant 0 : i32
    %dma_start3A_10 = arith.constant 0 : i32
    %dma_start3A_11 = arith.constant 0 : i32
    %dma_start3A_12 = tpu.memref_slice %arg6[%dma_start3A_10, %dma_start3A_11] : memref<4x80xi32, #tpu.memory_space<vmem>> -> memref<1x80xi32, #tpu.memory_space<vmem>>
    %dma_start3A_13 = tpu.memref_squeeze %dma_start3A_12 : memref<1x80xi32, #tpu.memory_space<vmem>> -> memref<80xi32, #tpu.memory_space<vmem>>
    %dma_start3A_14 = tpu.memref_slice %arg3[%dma_start3A_9, %add3A_8] : memref<2x320000xi32, #tpu.memory_space<hbm>> -> memref<1x80xi32, #tpu.memory_space<hbm>>
    %dma_start3A_15 = tpu.memref_squeeze %dma_start3A_14 : memref<1x80xi32, #tpu.memory_space<hbm>> -> memref<80xi32, #tpu.memory_space<hbm>>
    %dma_start3A_16 = arith.constant 0 : i32
    %dma_start3A_17 = tpu.memref_slice %arg6[%dma_start3A_10, %dma_start3A_16] : memref<4x80xi32, #tpu.memory_space<vmem>> -> memref<1x80xi32, #tpu.memory_space<vmem>>
    %dma_start3A_18 = tpu.memref_squeeze %dma_start3A_17 : memref<1x80xi32, #tpu.memory_space<vmem>> -> memref<80xi32, #tpu.memory_space<vmem>>
    %dma_start3A_19 = tpu.memref_slice %arg3[%dma_start3A_9, %add3A_8] : memref<2x320000xi32, #tpu.memory_space<hbm>> -> memref<1x80xi32, #tpu.memory_space<hbm>>
    %dma_start3A_20 = tpu.memref_squeeze %dma_start3A_19 : memref<1x80xi32, #tpu.memory_space<hbm>> -> memref<80xi32, #tpu.memory_space<hbm>>
    tpu.enqueue_dma source(%dma_start3A_20 : memref<80xi32, #tpu.memory_space<hbm>>) target(%dma_start3A_18 : memref<80xi32, #tpu.memory_space<vmem>>) target_semaphore(%arg15 : memref<!tpu.dma_semaphore, #tpu.memory_space<semaphore_mem>>)
    %add3A_21 = arith.constant 80 : i32
    %add3A_22 = arith.addi %mul3A_2, %add3A_21 : i32
    %dma_start3A_23 = arith.constant 0 : i32
    %dma_start3A_24 = arith.constant 1 : i32
    %dma_start3A_25 = arith.constant 0 : i32
    %dma_start3A_26 = tpu.memref_slice %arg6[%dma_start3A_24, %dma_start3A_25] : memref<4x80xi32, #tpu.memory_space<vmem>> -> memref<1x80xi32, #tpu.memory_space<vmem>>
    %dma_start3A_27 = tpu.memref_squeeze %dma_start3A_26 : memref<1x80xi32, #tpu.memory_space<vmem>> -> memref<80xi32, #tpu.memory_space<vmem>>
    %dma_start3A_28 = tpu.memref_slice %arg3[%dma_start3A_23, %add3A_22] : memref<2x320000xi32, #tpu.memory_space<hbm>> -> memref<1x80xi32, #tpu.memory_space<hbm>>
    %dma_start3A_29 = tpu.memref_squeeze %dma_start3A_28 : memref<1x80xi32, #tpu.memory_space<hbm>> -> memref<80xi32, #tpu.memory_space<hbm>>
    %dma_start3A_30 = arith.constant 0 : i32
    %dma_start3A_31 = tpu.memref_slice %arg6[%dma_start3A_24, %dma_start3A_30] : memref<4x80xi32, #tpu.memory_space<vmem>> -> memref<1x80xi32, #tpu.memory_space<vmem>>
    %dma_start3A_32 = tpu.memref_squeeze %dma_start3A_31 : memref<1x80xi32, #tpu.memory_space<vmem>> -> memref<80xi32, #tpu.memory_space<vmem>>
    %dma_start3A_33 = tpu.memref_slice %arg3[%dma_start3A_23, %add3A_22] : memref<2x320000xi32, #tpu.memory_space<hbm>> -> memref<1x80xi32, #tpu.memory_space<hbm>>
    %dma_start3A_34 = tpu.memref_squeeze %dma_start3A_33 : memref<1x80xi32, #tpu.memory_space<hbm>> -> memref<80xi32, #tpu.memory_space<hbm>>
    tpu.enqueue_dma source(%dma_start3A_34 : memref<80xi32, #tpu.memory_space<hbm>>) target(%dma_start3A_32 : memref<80xi32, #tpu.memory_space<vmem>>) target_semaphore(%arg15 : memref<!tpu.dma_semaphore, #tpu.memory_space<semaphore_mem>>)
    %scan3A = arith.constant 0 : i32
    %scan3A_35 = arith.constant 0 : i32
    %scan3A_36 = arith.constant 80 : i32
    %scan3A_37 = arith.addi %scan3A_35, %scan3A_36 : i32
    %scan3A_38 = arith.constant 1 : i32
    scf.for %scan3A_433 = %scan3A_35 to %scan3A_37 step %scan3A_38  : i32 {
      %broadcast_in_dim3A = arith.constant 0.000000e+00 : f32
      %broadcast_in_dim3A_434 = vector.broadcast %broadcast_in_dim3A : f32 to vector<16xf32>
      %swap3A = arith.constant 0 : i32
      %swap3A_435 = arith.index_cast %swap3A : i32 to index
      %swap3A_436 = arith.index_cast %scan3A_433 : i32 to index
      %swap3A_437 = arith.constant 0 : index
      %swap3A_438 = tpu.vector_load %arg8[%swap3A_435, %swap3A_436, %swap3A_437] {strides = array<i32>} : memref<3x80x128xf32, #tpu.memory_space<vmem>>, vector<1x1x16xf32>,
      %swap3A_439 = vector.shape_cast %swap3A_438 : vector<1x1x16xf32> to vector<16xf32>
      %swap3A_440 = vector.shape_cast %broadcast_in_dim3A_434 : vector<16xf32> to vector<1x1x16xf32>
      tpu.vector_store %arg8[%swap3A_435, %swap3A_436, %swap3A_437], %swap3A_440 {strides = array<i32>} : memref<3x80x128xf32, #tpu.memory_space<vmem>>, vector<1x1x16xf32>,
      %broadcast_in_dim3A_441 = arith.constant 0.000000e+00 : f32
      %broadcast_in_dim3A_442 = vector.broadcast %broadcast_in_dim3A_441 : f32 to vector<16xf32>
      %swap3A_443 = arith.constant 0 : i32
      %swap3A_444 = arith.index_cast %swap3A_443 : i32 to index
      %swap3A_445 = arith.index_cast %scan3A_433 : i32 to index
      %swap3A_446 = arith.constant 16 : index
      %swap3A_447 = tpu.vector_load %arg8[%swap3A_444, %swap3A_445, %swap3A_446] {strides = array<i32>} : memref<3x80x128xf32, #tpu.memory_space<vmem>>, vector<1x1x16xf32>,
      %swap3A_448 = vector.shape_cast %swap3A_447 : vector<1x1x16xf32> to vector<16xf32>
      %swap3A_449 = vector.shape_cast %broadcast_in_dim3A_442 : vector<16xf32> to vector<1x1x16xf32>
      tpu.vector_store %arg8[%swap3A_444, %swap3A_445, %swap3A_446], %swap3A_449 {strides = array<i32>} : memref<3x80x128xf32, #tpu.memory_space<vmem>>, vector<1x1x16xf32>,
      %broadcast_in_dim3A_450 = arith.constant 0.000000e+00 : f32
      %broadcast_in_dim3A_451 = vector.broadcast %broadcast_in_dim3A_450 : f32 to vector<16xf32>
      %swap3A_452 = arith.constant 0 : i32
      %swap3A_453 = arith.index_cast %swap3A_452 : i32 to index
      %swap3A_454 = arith.index_cast %scan3A_433 : i32 to index
      %swap3A_455 = arith.constant 32 : index
      %swap3A_456 = tpu.vector_load %arg8[%swap3A_453, %swap3A_454, %swap3A_455] {strides = array<i32>} : memref<3x80x128xf32, #tpu.memory_space<vmem>>, vector<1x1x16xf32>,
      %swap3A_457 = vector.shape_cast %swap3A_456 : vector<1x1x16xf32> to vector<16xf32>
      %swap3A_458 = vector.shape_cast %broadcast_in_dim3A_451 : vector<16xf32> to vector<1x1x16xf32>
      tpu.vector_store %arg8[%swap3A_453, %swap3A_454, %swap3A_455], %swap3A_458 {strides = array<i32>} : memref<3x80x128xf32, #tpu.memory_space<vmem>>, vector<1x1x16xf32>,
      %broadcast_in_dim3A_459 = arith.constant 0.000000e+00 : f32
      %broadcast_in_dim3A_460 = vector.broadcast %broadcast_in_dim3A_459 : f32 to vector<16xf32>
      %swap3A_461 = arith.constant 0 : i32
      %swap3A_462 = arith.index_cast %swap3A_461 : i32 to index
      %swap3A_463 = arith.index_cast %scan3A_433 : i32 to index
      %swap3A_464 = arith.constant 48 : index
      %swap3A_465 = tpu.vector_load %arg8[%swap3A_462, %swap3A_463, %swap3A_464] {strides = array<i32>} : memref<3x80x128xf32, #tpu.memory_space<vmem>>, vector<1x1x16xf32>,
      %swap3A_466 = vector.shape_cast %swap3A_465 : vector<1x1x16xf32> to vector<16xf32>
      %swap3A_467 = vector.shape_cast %broadcast_in_dim3A_460 : vector<16xf32> to vector<1x1x16xf32>
      tpu.vector_store %arg8[%swap3A_462, %swap3A_463, %swap3A_464], %swap3A_467 {strides = array<i32>} : memref<3x80x128xf32, #tpu.memory_space<vmem>>, vector<1x1x16xf32>,
      %broadcast_in_dim3A_468 = arith.constant 0.000000e+00 : f32
      %broadcast_in_dim3A_469 = vector.broadcast %broadcast_in_dim3A_468 : f32 to vector<16xf32>
      %swap3A_470 = arith.constant 0 : i32
      %swap3A_471 = arith.index_cast %swap3A_470 : i32 to index
      %swap3A_472 = arith.index_cast %scan3A_433 : i32 to index
      %swap3A_473 = arith.constant 64 : index
      %swap3A_474 = tpu.vector_load %arg8[%swap3A_471, %swap3A_472, %swap3A_473] {strides = array<i32>} : memref<3x80x128xf32, #tpu.memory_space<vmem>>, vector<1x1x16xf32>,
      %swap3A_475 = vector.shape_cast %swap3A_474 : vector<1x1x16xf32> to vector<16xf32>
      %swap3A_476 = vector.shape_cast %broadcast_in_dim3A_469 : vector<16xf32> to vector<1x1x16xf32>
      tpu.vector_store %arg8[%swap3A_471, %swap3A_472, %swap3A_473], %swap3A_476 {strides = array<i32>} : memref<3x80x128xf32, #tpu.memory_space<vmem>>, vector<1x1x16xf32>,
      %broadcast_in_dim3A_477 = arith.constant 0.000000e+00 : f32
      %broadcast_in_dim3A_478 = vector.broadcast %broadcast_in_dim3A_477 : f32 to vector<16xf32>
      %swap3A_479 = arith.constant 0 : i32
      %swap3A_480 = arith.index_cast %swap3A_479 : i32 to index
      %swap3A_481 = arith.index_cast %scan3A_433 : i32 to index
      %swap3A_482 = arith.constant 80 : index
      %swap3A_483 = tpu.vector_load %arg8[%swap3A_480, %swap3A_481, %swap3A_482] {strides = array<i32>} : memref<3x80x128xf32, #tpu.memory_space<vmem>>, vector<1x1x16xf32>,
      %swap3A_484 = vector.shape_cast %swap3A_483 : vector<1x1x16xf32> to vector<16xf32>
      %swap3A_485 = vector.shape_cast %broadcast_in_dim3A_478 : vector<16xf32> to vector<1x1x16xf32>
      tpu.vector_store %arg8[%swap3A_480, %swap3A_481, %swap3A_482], %swap3A_485 {strides = array<i32>} : memref<3x80x128xf32, #tpu.memory_space<vmem>>, vector<1x1x16xf32>,
      %broadcast_in_dim3A_486 = arith.constant 0.000000e+00 : f32
      %broadcast_in_dim3A_487 = vector.broadcast %broadcast_in_dim3A_486 : f32 to vector<16xf32>
      %swap3A_488 = arith.constant 0 : i32
      %swap3A_489 = arith.index_cast %swap3A_488 : i32 to index
      %swap3A_490 = arith.index_cast %scan3A_433 : i32 to index
      %swap3A_491 = arith.constant 96 : index
      %swap3A_492 = tpu.vector_load %arg8[%swap3A_489, %swap3A_490, %swap3A_491] {strides = array<i32>} : memref<3x80x128xf32, #tpu.memory_space<vmem>>, vector<1x1x16xf32>,
      %swap3A_493 = vector.shape_cast %swap3A_492 : vector<1x1x16xf32> to vector<16xf32>
      %swap3A_494 = vector.shape_cast %broadcast_in_dim3A_487 : vector<16xf32> to vector<1x1x16xf32>
      tpu.vector_store %arg8[%swap3A_489, %swap3A_490, %swap3A_491], %swap3A_494 {strides = array<i32>} : memref<3x80x128xf32, #tpu.memory_space<vmem>>, vector<1x1x16xf32>,
      %broadcast_in_dim3A_495 = arith.constant 0.000000e+00 : f32
      %broadcast_in_dim3A_496 = vector.broadcast %broadcast_in_dim3A_495 : f32 to vector<16xf32>
      %swap3A_497 = arith.constant 0 : i32
      %swap3A_498 = arith.index_cast %swap3A_497 : i32 to index
      %swap3A_499 = arith.index_cast %scan3A_433 : i32 to index
      %swap3A_500 = arith.constant 112 : index
      %swap3A_501 = tpu.vector_load %arg8[%swap3A_498, %swap3A_499, %swap3A_500] {strides = array<i32>} : memref<3x80x128xf32, #tpu.memory_space<vmem>>, vector<1x1x16xf32>,
      %swap3A_502 = vector.shape_cast %swap3A_501 : vector<1x1x16xf32> to vector<16xf32>
      %swap3A_503 = vector.shape_cast %broadcast_in_dim3A_496 : vector<16xf32> to vector<1x1x16xf32>
      tpu.vector_store %arg8[%swap3A_498, %swap3A_499, %swap3A_500], %swap3A_503 {strides = array<i32>} : memref<3x80x128xf32, #tpu.memory_space<vmem>>, vector<1x1x16xf32>,
      %broadcast_in_dim3A_504 = arith.constant 0.000000e+00 : f32
      %broadcast_in_dim3A_505 = vector.broadcast %broadcast_in_dim3A_504 : f32 to vector<16xf32>
      %swap3A_506 = arith.index_cast %scan3A_433 : i32 to index
      %swap3A_507 = arith.constant 0 : index
      %swap3A_508 = tpu.vector_load %arg9[%swap3A_506, %swap3A_507] {strides = array<i32>} : memref<80x16xf32, #tpu.memory_space<vmem>>, vector<1x16xf32>,
      %swap3A_509 = vector.shape_cast %swap3A_508 : vector<1x16xf32> to vector<16xf32>
      %swap3A_510 = vector.shape_cast %broadcast_in_dim3A_505 : vector<16xf32> to vector<1x16xf32>
      tpu.vector_store %arg9[%swap3A_506, %swap3A_507], %swap3A_510 {strides = array<i32>} : memref<80x16xf32, #tpu.memory_space<vmem>>, vector<1x16xf32>,
    }
    %scan3A_39 = arith.constant 80 : i32
    %mul3A_40 = arith.constant 640 : i32
    %mul3A_41 = arith.muli %arg1, %mul3A_40 : i32
    %multiple_of3A = tpu.assume_multiple %mul3A_41, 8 : i32
    %add3A_42 = arith.constant 0 : i32
    %add3A_43 = arith.addi %multiple_of3A, %add3A_42 : i32
    %dma_start3A_44 = arith.constant 0 : i32
    %dma_start3A_45 = arith.constant 0 : i32
    %dma_start3A_46 = arith.constant 0 : i32
    %dma_start3A_47 = tpu.memref_slice %arg8[%dma_start3A_44, %dma_start3A_45, %dma_start3A_46] : memref<3x80x128xf32, #tpu.memory_space<vmem>> -> memref<1x80x128xf32, #tpu.memory_space<vmem>>
    %dma_start3A_48 = tpu.memref_squeeze %dma_start3A_47 : memref<1x80x128xf32, #tpu.memory_space<vmem>> -> memref<80x128xf32, #tpu.memory_space<vmem>>
    %dma_start3A_49 = arith.constant 0 : i32
    %dma_start3A_50 = tpu.memref_slice %arg10[%add3A_43, %dma_start3A_49] : memref<10240x128xf32, #tpu.memory_space<vmem_shared>> -> memref<80x128xf32, #tpu.memory_space<vmem_shared>>
    %dma_start3A_51 = arith.constant 0 : i32
    %dma_start3A_52 = tpu.memref_slice %arg10[%add3A_43, %dma_start3A_51] : memref<10240x128xf32, #tpu.memory_space<vmem_shared>> -> memref<80x128xf32, #tpu.memory_space<vmem_shared>>
    %dma_start3A_53 = arith.constant 0 : i32
    %dma_start3A_54 = arith.constant 0 : i32
    %dma_start3A_55 = tpu.memref_slice %arg8[%dma_start3A_44, %dma_start3A_53, %dma_start3A_54] : memref<3x80x128xf32, #tpu.memory_space<vmem>> -> memref<1x80x128xf32, #tpu.memory_space<vmem>>
    %dma_start3A_56 = tpu.memref_squeeze %dma_start3A_55 : memref<1x80x128xf32, #tpu.memory_space<vmem>> -> memref<80x128xf32, #tpu.memory_space<vmem>>
    tpu.enqueue_dma source(%dma_start3A_56 : memref<80x128xf32, #tpu.memory_space<vmem>>) target(%dma_start3A_52 : memref<80x128xf32, #tpu.memory_space<vmem_shared>>) target_semaphore(%arg13 : memref<!tpu.dma_semaphore, #tpu.memory_space<semaphore_mem>>)
    %add3A_57 = arith.constant 0 : i32
    %add3A_58 = arith.addi %multiple_of3A, %add3A_57 : i32
    %dma_start3A_59 = arith.constant 0 : i32
    %dma_start3A_60 = tpu.memref_slice %arg11[%add3A_58, %dma_start3A_59] : memref<10240x16xf32, #tpu.memory_space<vmem_shared>> -> memref<80x16xf32, #tpu.memory_space<vmem_shared>>
    %dma_start3A_61 = arith.constant 0 : i32
    %dma_start3A_62 = tpu.memref_slice %arg11[%add3A_58, %dma_start3A_61] : memref<10240x16xf32, #tpu.memory_space<vmem_shared>> -> memref<80x16xf32, #tpu.memory_space<vmem_shared>>
    tpu.enqueue_dma source(%arg9 : memref<80x16xf32, #tpu.memory_space<vmem>>) target(%dma_start3A_62 : memref<80x16xf32, #tpu.memory_space<vmem_shared>>) target_semaphore(%arg14 : memref<!tpu.dma_semaphore, #tpu.memory_space<semaphore_mem>>)
    %add3A_63 = arith.constant 80 : i32
    %add3A_64 = arith.addi %multiple_of3A, %add3A_63 : i32
    %dma_start3A_65 = arith.constant 0 : i32
    %dma_start3A_66 = arith.constant 0 : i32
    %dma_start3A_67 = arith.constant 0 : i32
    %dma_start3A_68 = tpu.memref_slice %arg8[%dma_start3A_65, %dma_start3A_66, %dma_start3A_67] : memref<3x80x128xf32, #tpu.memory_space<vmem>> -> memref<1x80x128xf32, #tpu.memory_space<vmem>>
    %dma_start3A_69 = tpu.memref_squeeze %dma_start3A_68 : memref<1x80x128xf32, #tpu.memory_space<vmem>> -> memref<80x128xf32, #tpu.memory_space<vmem>>
    %dma_start3A_70 = arith.constant 0 : i32
    %dma_start3A_71 = tpu.memref_slice %arg10[%add3A_64, %dma_start3A_70] : memref<10240x128xf32, #tpu.memory_space<vmem_shared>> -> memref<80x128xf32, #tpu.memory_space<vmem_shared>>
    %dma_start3A_72 = arith.constant 0 : i32
    %dma_start3A_73 = tpu.memref_slice %arg10[%add3A_64, %dma_start3A_72] : memref<10240x128xf32, #tpu.memory_space<vmem_shared>> -> memref<80x128xf32, #tpu.memory_space<vmem_shared>>
    %dma_start3A_74 = arith.constant 0 : i32
    %dma_start3A_75 = arith.constant 0 : i32
    %dma_start3A_76 = tpu.memref_slice %arg8[%dma_start3A_65, %dma_start3A_74, %dma_start3A_75] : memref<3x80x128xf32, #tpu.memory_space<vmem>> -> memref<1x80x128xf32, #tpu.memory_space<vmem>>
    %dma_start3A_77 = tpu.memref_squeeze %dma_start3A_76 : memref<1x80x128xf32, #tpu.memory_space<vmem>> -> memref<80x128xf32, #tpu.memory_space<vmem>>
    tpu.enqueue_dma source(%dma_start3A_77 : memref<80x128xf32, #tpu.memory_space<vmem>>) target(%dma_start3A_73 : memref<80x128xf32, #tpu.memory_space<vmem_shared>>) target_semaphore(%arg13 : memref<!tpu.dma_semaphore, #tpu.memory_space<semaphore_mem>>)
    %add3A_78 = arith.constant 80 : i32
    %add3A_79 = arith.addi %multiple_of3A, %add3A_78 : i32
    %dma_start3A_80 = arith.constant 0 : i32
    %dma_start3A_81 = tpu.memref_slice %arg11[%add3A_79, %dma_start3A_80] : memref<10240x16xf32, #tpu.memory_space<vmem_shared>> -> memref<80x16xf32, #tpu.memory_space<vmem_shared>>
    %dma_start3A_82 = arith.constant 0 : i32
    %dma_start3A_83 = tpu.memref_slice %arg11[%add3A_79, %dma_start3A_82] : memref<10240x16xf32, #tpu.memory_space<vmem_shared>> -> memref<80x16xf32, #tpu.memory_space<vmem_shared>>
    tpu.enqueue_dma source(%arg9 : memref<80x16xf32, #tpu.memory_space<vmem>>) target(%dma_start3A_83 : memref<80x16xf32, #tpu.memory_space<vmem_shared>>) target_semaphore(%arg14 : memref<!tpu.dma_semaphore, #tpu.memory_space<semaphore_mem>>)
    %add3A_84 = arith.constant 160 : i32
    %add3A_85 = arith.addi %multiple_of3A, %add3A_84 : i32
    %dma_start3A_86 = arith.constant 0 : i32
    %dma_start3A_87 = arith.constant 0 : i32
    %dma_start3A_88 = arith.constant 0 : i32
    %dma_start3A_89 = tpu.memref_slice %arg8[%dma_start3A_86, %dma_start3A_87, %dma_start3A_88] : memref<3x80x128xf32, #tpu.memory_space<vmem>> -> memref<1x80x128xf32, #tpu.memory_space<vmem>>
    %dma_start3A_90 = tpu.memref_squeeze %dma_start3A_89 : memref<1x80x128xf32, #tpu.memory_space<vmem>> -> memref<80x128xf32, #tpu.memory_space<vmem>>
    %dma_start3A_91 = arith.constant 0 : i32
    %dma_start3A_92 = tpu.memref_slice %arg10[%add3A_85, %dma_start3A_91] : memref<10240x128xf32, #tpu.memory_space<vmem_shared>> -> memref<80x128xf32, #tpu.memory_space<vmem_shared>>
    %dma_start3A_93 = arith.constant 0 : i32
    %dma_start3A_94 = tpu.memref_slice %arg10[%add3A_85, %dma_start3A_93] : memref<10240x128xf32, #tpu.memory_space<vmem_shared>> -> memref<80x128xf32, #tpu.memory_space<vmem_shared>>
    %dma_start3A_95 = arith.constant 0 : i32
    %dma_start3A_96 = arith.constant 0 : i32
    %dma_start3A_97 = tpu.memref_slice %arg8[%dma_start3A_86, %dma_start3A_95, %dma_start3A_96] : memref<3x80x128xf32, #tpu.memory_space<vmem>> -> memref<1x80x128xf32, #tpu.memory_space<vmem>>
    %dma_start3A_98 = tpu.memref_squeeze %dma_start3A_97 : memref<1x80x128xf32, #tpu.memory_space<vmem>> -> memref<80x128xf32, #tpu.memory_space<vmem>>
    tpu.enqueue_dma source(%dma_start3A_98 : memref<80x128xf32, #tpu.memory_space<vmem>>) target(%dma_start3A_94 : memref<80x128xf32, #tpu.memory_space<vmem_shared>>) target_semaphore(%arg13 : memref<!tpu.dma_semaphore, #tpu.memory_space<semaphore_mem>>)
    %add3A_99 = arith.constant 160 : i32
    %add3A_100 = arith.addi %multiple_of3A, %add3A_99 : i32
    %dma_start3A_101 = arith.constant 0 : i32
    %dma_start3A_102 = tpu.memref_slice %arg11[%add3A_100, %dma_start3A_101] : memref<10240x16xf32, #tpu.memory_space<vmem_shared>> -> memref<80x16xf32, #tpu.memory_space<vmem_shared>>
    %dma_start3A_103 = arith.constant 0 : i32
    %dma_start3A_104 = tpu.memref_slice %arg11[%add3A_100, %dma_start3A_103] : memref<10240x16xf32, #tpu.memory_space<vmem_shared>> -> memref<80x16xf32, #tpu.memory_space<vmem_shared>>
    tpu.enqueue_dma source(%arg9 : memref<80x16xf32, #tpu.memory_space<vmem>>) target(%dma_start3A_104 : memref<80x16xf32, #tpu.memory_space<vmem_shared>>) target_semaphore(%arg14 : memref<!tpu.dma_semaphore, #tpu.memory_space<semaphore_mem>>)
    %add3A_105 = arith.constant 240 : i32
    %add3A_106 = arith.addi %multiple_of3A, %add3A_105 : i32
    %dma_start3A_107 = arith.constant 0 : i32
    %dma_start3A_108 = arith.constant 0 : i32
    %dma_start3A_109 = arith.constant 0 : i32
    %dma_start3A_110 = tpu.memref_slice %arg8[%dma_start3A_107, %dma_start3A_108, %dma_start3A_109] : memref<3x80x128xf32, #tpu.memory_space<vmem>> -> memref<1x80x128xf32, #tpu.memory_space<vmem>>
    %dma_start3A_111 = tpu.memref_squeeze %dma_start3A_110 : memref<1x80x128xf32, #tpu.memory_space<vmem>> -> memref<80x128xf32, #tpu.memory_space<vmem>>
    %dma_start3A_112 = arith.constant 0 : i32
    %dma_start3A_113 = tpu.memref_slice %arg10[%add3A_106, %dma_start3A_112] : memref<10240x128xf32, #tpu.memory_space<vmem_shared>> -> memref<80x128xf32, #tpu.memory_space<vmem_shared>>
    %dma_start3A_114 = arith.constant 0 : i32
    %dma_start3A_115 = tpu.memref_slice %arg10[%add3A_106, %dma_start3A_114] : memref<10240x128xf32, #tpu.memory_space<vmem_shared>> -> memref<80x128xf32, #tpu.memory_space<vmem_shared>>
    %dma_start3A_116 = arith.constant 0 : i32
    %dma_start3A_117 = arith.constant 0 : i32
    %dma_start3A_118 = tpu.memref_slice %arg8[%dma_start3A_107, %dma_start3A_116, %dma_start3A_117] : memref<3x80x128xf32, #tpu.memory_space<vmem>> -> memref<1x80x128xf32, #tpu.memory_space<vmem>>
    %dma_start3A_119 = tpu.memref_squeeze %dma_start3A_118 : memref<1x80x128xf32, #tpu.memory_space<vmem>> -> memref<80x128xf32, #tpu.memory_space<vmem>>
    tpu.enqueue_dma source(%dma_start3A_119 : memref<80x128xf32, #tpu.memory_space<vmem>>) target(%dma_start3A_115 : memref<80x128xf32, #tpu.memory_space<vmem_shared>>) target_semaphore(%arg13 : memref<!tpu.dma_semaphore, #tpu.memory_space<semaphore_mem>>)
    %add3A_120 = arith.constant 240 : i32
    %add3A_121 = arith.addi %multiple_of3A, %add3A_120 : i32
    %dma_start3A_122 = arith.constant 0 : i32
    %dma_start3A_123 = tpu.memref_slice %arg11[%add3A_121, %dma_start3A_122] : memref<10240x16xf32, #tpu.memory_space<vmem_shared>> -> memref<80x16xf32, #tpu.memory_space<vmem_shared>>
    %dma_start3A_124 = arith.constant 0 : i32
    %dma_start3A_125 = tpu.memref_slice %arg11[%add3A_121, %dma_start3A_124] : memref<10240x16xf32, #tpu.memory_space<vmem_shared>> -> memref<80x16xf32, #tpu.memory_space<vmem_shared>>
    tpu.enqueue_dma source(%arg9 : memref<80x16xf32, #tpu.memory_space<vmem>>) target(%dma_start3A_125 : memref<80x16xf32, #tpu.memory_space<vmem_shared>>) target_semaphore(%arg14 : memref<!tpu.dma_semaphore, #tpu.memory_space<semaphore_mem>>)
    %add3A_126 = arith.constant 320 : i32
    %add3A_127 = arith.addi %multiple_of3A, %add3A_126 : i32
    %dma_start3A_128 = arith.constant 0 : i32
    %dma_start3A_129 = arith.constant 0 : i32
    %dma_start3A_130 = arith.constant 0 : i32
    %dma_start3A_131 = tpu.memref_slice %arg8[%dma_start3A_128, %dma_start3A_129, %dma_start3A_130] : memref<3x80x128xf32, #tpu.memory_space<vmem>> -> memref<1x80x128xf32, #tpu.memory_space<vmem>>
    %dma_start3A_132 = tpu.memref_squeeze %dma_start3A_131 : memref<1x80x128xf32, #tpu.memory_space<vmem>> -> memref<80x128xf32, #tpu.memory_space<vmem>>
    %dma_start3A_133 = arith.constant 0 : i32
    %dma_start3A_134 = tpu.memref_slice %arg10[%add3A_127, %dma_start3A_133] : memref<10240x128xf32, #tpu.memory_space<vmem_shared>> -> memref<80x128xf32, #tpu.memory_space<vmem_shared>>
    %dma_start3A_135 = arith.constant 0 : i32
    %dma_start3A_136 = tpu.memref_slice %arg10[%add3A_127, %dma_start3A_135] : memref<10240x128xf32, #tpu.memory_space<vmem_shared>> -> memref<80x128xf32, #tpu.memory_space<vmem_shared>>
    %dma_start3A_137 = arith.constant 0 : i32
    %dma_start3A_138 = arith.constant 0 : i32
    %dma_start3A_139 = tpu.memref_slice %arg8[%dma_start3A_128, %dma_start3A_137, %dma_start3A_138] : memref<3x80x128xf32, #tpu.memory_space<vmem>> -> memref<1x80x128xf32, #tpu.memory_space<vmem>>
    %dma_start3A_140 = tpu.memref_squeeze %dma_start3A_139 : memref<1x80x128xf32, #tpu.memory_space<vmem>> -> memref<80x128xf32, #tpu.memory_space<vmem>>
    tpu.enqueue_dma source(%dma_start3A_140 : memref<80x128xf32, #tpu.memory_space<vmem>>) target(%dma_start3A_136 : memref<80x128xf32, #tpu.memory_space<vmem_shared>>) target_semaphore(%arg13 : memref<!tpu.dma_semaphore, #tpu.memory_space<semaphore_mem>>)
    %add3A_141 = arith.constant 320 : i32
    %add3A_142 = arith.addi %multiple_of3A, %add3A_141 : i32
    %dma_start3A_143 = arith.constant 0 : i32
    %dma_start3A_144 = tpu.memref_slice %arg11[%add3A_142, %dma_start3A_143] : memref<10240x16xf32, #tpu.memory_space<vmem_shared>> -> memref<80x16xf32, #tpu.memory_space<vmem_shared>>
    %dma_start3A_145 = arith.constant 0 : i32
    %dma_start3A_146 = tpu.memref_slice %arg11[%add3A_142, %dma_start3A_145] : memref<10240x16xf32, #tpu.memory_space<vmem_shared>> -> memref<80x16xf32, #tpu.memory_space<vmem_shared>>
    tpu.enqueue_dma source(%arg9 : memref<80x16xf32, #tpu.memory_space<vmem>>) target(%dma_start3A_146 : memref<80x16xf32, #tpu.memory_space<vmem_shared>>) target_semaphore(%arg14 : memref<!tpu.dma_semaphore, #tpu.memory_space<semaphore_mem>>)
    %add3A_147 = arith.constant 400 : i32
    %add3A_148 = arith.addi %multiple_of3A, %add3A_147 : i32
    %dma_start3A_149 = arith.constant 0 : i32
    %dma_start3A_150 = arith.constant 0 : i32
    %dma_start3A_151 = arith.constant 0 : i32
    %dma_start3A_152 = tpu.memref_slice %arg8[%dma_start3A_149, %dma_start3A_150, %dma_start3A_151] : memref<3x80x128xf32, #tpu.memory_space<vmem>> -> memref<1x80x128xf32, #tpu.memory_space<vmem>>
    %dma_start3A_153 = tpu.memref_squeeze %dma_start3A_152 : memref<1x80x128xf32, #tpu.memory_space<vmem>> -> memref<80x128xf32, #tpu.memory_space<vmem>>
    %dma_start3A_154 = arith.constant 0 : i32
    %dma_start3A_155 = tpu.memref_slice %arg10[%add3A_148, %dma_start3A_154] : memref<10240x128xf32, #tpu.memory_space<vmem_shared>> -> memref<80x128xf32, #tpu.memory_space<vmem_shared>>
    %dma_start3A_156 = arith.constant 0 : i32
    %dma_start3A_157 = tpu.memref_slice %arg10[%add3A_148, %dma_start3A_156] : memref<10240x128xf32, #tpu.memory_space<vmem_shared>> -> memref<80x128xf32, #tpu.memory_space<vmem_shared>>
    %dma_start3A_158 = arith.constant 0 : i32
    %dma_start3A_159 = arith.constant 0 : i32
    %dma_start3A_160 = tpu.memref_slice %arg8[%dma_start3A_149, %dma_start3A_158, %dma_start3A_159] : memref<3x80x128xf32, #tpu.memory_space<vmem>> -> memref<1x80x128xf32, #tpu.memory_space<vmem>>
    %dma_start3A_161 = tpu.memref_squeeze %dma_start3A_160 : memref<1x80x128xf32, #tpu.memory_space<vmem>> -> memref<80x128xf32, #tpu.memory_space<vmem>>
    tpu.enqueue_dma source(%dma_start3A_161 : memref<80x128xf32, #tpu.memory_space<vmem>>) target(%dma_start3A_157 : memref<80x128xf32, #tpu.memory_space<vmem_shared>>) target_semaphore(%arg13 : memref<!tpu.dma_semaphore, #tpu.memory_space<semaphore_mem>>)
    %add3A_162 = arith.constant 400 : i32
    %add3A_163 = arith.addi %multiple_of3A, %add3A_162 : i32
    %dma_start3A_164 = arith.constant 0 : i32
    %dma_start3A_165 = tpu.memref_slice %arg11[%add3A_163, %dma_start3A_164] : memref<10240x16xf32, #tpu.memory_space<vmem_shared>> -> memref<80x16xf32, #tpu.memory_space<vmem_shared>>
    %dma_start3A_166 = arith.constant 0 : i32
    %dma_start3A_167 = tpu.memref_slice %arg11[%add3A_163, %dma_start3A_166] : memref<10240x16xf32, #tpu.memory_space<vmem_shared>> -> memref<80x16xf32, #tpu.memory_space<vmem_shared>>
    tpu.enqueue_dma source(%arg9 : memref<80x16xf32, #tpu.memory_space<vmem>>) target(%dma_start3A_167 : memref<80x16xf32, #tpu.memory_space<vmem_shared>>) target_semaphore(%arg14 : memref<!tpu.dma_semaphore, #tpu.memory_space<semaphore_mem>>)
    %add3A_168 = arith.constant 480 : i32
    %add3A_169 = arith.addi %multiple_of3A, %add3A_168 : i32
    %dma_start3A_170 = arith.constant 0 : i32
    %dma_start3A_171 = arith.constant 0 : i32
    %dma_start3A_172 = arith.constant 0 : i32
    %dma_start3A_173 = tpu.memref_slice %arg8[%dma_start3A_170, %dma_start3A_171, %dma_start3A_172] : memref<3x80x128xf32, #tpu.memory_space<vmem>> -> memref<1x80x128xf32, #tpu.memory_space<vmem>>
    %dma_start3A_174 = tpu.memref_squeeze %dma_start3A_173 : memref<1x80x128xf32, #tpu.memory_space<vmem>> -> memref<80x128xf32, #tpu.memory_space<vmem>>
    %dma_start3A_175 = arith.constant 0 : i32
    %dma_start3A_176 = tpu.memref_slice %arg10[%add3A_169, %dma_start3A_175] : memref<10240x128xf32, #tpu.memory_space<vmem_shared>> -> memref<80x128xf32, #tpu.memory_space<vmem_shared>>
    %dma_start3A_177 = arith.constant 0 : i32
    %dma_start3A_178 = tpu.memref_slice %arg10[%add3A_169, %dma_start3A_177] : memref<10240x128xf32, #tpu.memory_space<vmem_shared>> -> memref<80x128xf32, #tpu.memory_space<vmem_shared>>
    %dma_start3A_179 = arith.constant 0 : i32
    %dma_start3A_180 = arith.constant 0 : i32
    %dma_start3A_181 = tpu.memref_slice %arg8[%dma_start3A_170, %dma_start3A_179, %dma_start3A_180] : memref<3x80x128xf32, #tpu.memory_space<vmem>> -> memref<1x80x128xf32, #tpu.memory_space<vmem>>
    %dma_start3A_182 = tpu.memref_squeeze %dma_start3A_181 : memref<1x80x128xf32, #tpu.memory_space<vmem>> -> memref<80x128xf32, #tpu.memory_space<vmem>>
    tpu.enqueue_dma source(%dma_start3A_182 : memref<80x128xf32, #tpu.memory_space<vmem>>) target(%dma_start3A_178 : memref<80x128xf32, #tpu.memory_space<vmem_shared>>) target_semaphore(%arg13 : memref<!tpu.dma_semaphore, #tpu.memory_space<semaphore_mem>>)
    %add3A_183 = arith.constant 480 : i32
    %add3A_184 = arith.addi %multiple_of3A, %add3A_183 : i32
    %dma_start3A_185 = arith.constant 0 : i32
    %dma_start3A_186 = tpu.memref_slice %arg11[%add3A_184, %dma_start3A_185] : memref<10240x16xf32, #tpu.memory_space<vmem_shared>> -> memref<80x16xf32, #tpu.memory_space<vmem_shared>>
    %dma_start3A_187 = arith.constant 0 : i32
    %dma_start3A_188 = tpu.memref_slice %arg11[%add3A_184, %dma_start3A_187] : memref<10240x16xf32, #tpu.memory_space<vmem_shared>> -> memref<80x16xf32, #tpu.memory_space<vmem_shared>>
    tpu.enqueue_dma source(%arg9 : memref<80x16xf32, #tpu.memory_space<vmem>>) target(%dma_start3A_188 : memref<80x16xf32, #tpu.memory_space<vmem_shared>>) target_semaphore(%arg14 : memref<!tpu.dma_semaphore, #tpu.memory_space<semaphore_mem>>)
    %add3A_189 = arith.constant 560 : i32
    %add3A_190 = arith.addi %multiple_of3A, %add3A_189 : i32
    %dma_start3A_191 = arith.constant 0 : i32
    %dma_start3A_192 = arith.constant 0 : i32
    %dma_start3A_193 = arith.constant 0 : i32
    %dma_start3A_194 = tpu.memref_slice %arg8[%dma_start3A_191, %dma_start3A_192, %dma_start3A_193] : memref<3x80x128xf32, #tpu.memory_space<vmem>> -> memref<1x80x128xf32, #tpu.memory_space<vmem>>
    %dma_start3A_195 = tpu.memref_squeeze %dma_start3A_194 : memref<1x80x128xf32, #tpu.memory_space<vmem>> -> memref<80x128xf32, #tpu.memory_space<vmem>>
    %dma_start3A_196 = arith.constant 0 : i32
    %dma_start3A_197 = tpu.memref_slice %arg10[%add3A_190, %dma_start3A_196] : memref<10240x128xf32, #tpu.memory_space<vmem_shared>> -> memref<80x128xf32, #tpu.memory_space<vmem_shared>>
    %dma_start3A_198 = arith.constant 0 : i32
    %dma_start3A_199 = tpu.memref_slice %arg10[%add3A_190, %dma_start3A_198] : memref<10240x128xf32, #tpu.memory_space<vmem_shared>> -> memref<80x128xf32, #tpu.memory_space<vmem_shared>>
    %dma_start3A_200 = arith.constant 0 : i32
    %dma_start3A_201 = arith.constant 0 : i32
    %dma_start3A_202 = tpu.memref_slice %arg8[%dma_start3A_191, %dma_start3A_200, %dma_start3A_201] : memref<3x80x128xf32, #tpu.memory_space<vmem>> -> memref<1x80x128xf32, #tpu.memory_space<vmem>>
    %dma_start3A_203 = tpu.memref_squeeze %dma_start3A_202 : memref<1x80x128xf32, #tpu.memory_space<vmem>> -> memref<80x128xf32, #tpu.memory_space<vmem>>
    tpu.enqueue_dma source(%dma_start3A_203 : memref<80x128xf32, #tpu.memory_space<vmem>>) target(%dma_start3A_199 : memref<80x128xf32, #tpu.memory_space<vmem_shared>>) target_semaphore(%arg13 : memref<!tpu.dma_semaphore, #tpu.memory_space<semaphore_mem>>)
    %add3A_204 = arith.constant 560 : i32
    %add3A_205 = arith.addi %multiple_of3A, %add3A_204 : i32
    %dma_start3A_206 = arith.constant 0 : i32
    %dma_start3A_207 = tpu.memref_slice %arg11[%add3A_205, %dma_start3A_206] : memref<10240x16xf32, #tpu.memory_space<vmem_shared>> -> memref<80x16xf32, #tpu.memory_space<vmem_shared>>
    %dma_start3A_208 = arith.constant 0 : i32
    %dma_start3A_209 = tpu.memref_slice %arg11[%add3A_205, %dma_start3A_208] : memref<10240x16xf32, #tpu.memory_space<vmem_shared>> -> memref<80x16xf32, #tpu.memory_space<vmem_shared>>
    tpu.enqueue_dma source(%arg9 : memref<80x16xf32, #tpu.memory_space<vmem>>) target(%dma_start3A_209 : memref<80x16xf32, #tpu.memory_space<vmem_shared>>) target_semaphore(%arg14 : memref<!tpu.dma_semaphore, #tpu.memory_space<semaphore_mem>>)
    %dma_wait3A = arith.constant 0 : i32
    %dma_wait3A_210 = arith.constant 0 : i32
    %dma_wait3A_211 = arith.constant 0 : i32
    %dma_wait3A_212 = tpu.memref_slice %arg8[%dma_wait3A, %dma_wait3A_210, %dma_wait3A_211] : memref<3x80x128xf32, #tpu.memory_space<vmem>> -> memref<1x80x128xf32, #tpu.memory_space<vmem>>
    %dma_wait3A_213 = tpu.memref_squeeze %dma_wait3A_212 : memref<1x80x128xf32, #tpu.memory_space<vmem>> -> memref<80x128xf32, #tpu.memory_space<vmem>>
    %dma_wait3A_214 = arith.constant 0 : i32
    %dma_wait3A_215 = tpu.memref_slice %arg10[%multiple_of3A, %dma_wait3A_214] : memref<10240x128xf32, #tpu.memory_space<vmem_shared>> -> memref<80x128xf32, #tpu.memory_space<vmem_shared>>
    %dma_wait3A_216 = arith.constant 0 : i32
    %dma_wait3A_217 = tpu.memref_slice %arg10[%multiple_of3A, %dma_wait3A_216] : memref<10240x128xf32, #tpu.memory_space<vmem_shared>> -> memref<80x128xf32, #tpu.memory_space<vmem_shared>>
    %dma_wait3A_218 = arith.constant 0 : i32
    %dma_wait3A_219 = arith.constant 0 : i32
    %dma_wait3A_220 = tpu.memref_slice %arg8[%dma_wait3A, %dma_wait3A_218, %dma_wait3A_219] : memref<3x80x128xf32, #tpu.memory_space<vmem>> -> memref<1x80x128xf32, #tpu.memory_space<vmem>>
    %dma_wait3A_221 = tpu.memref_squeeze %dma_wait3A_220 : memref<1x80x128xf32, #tpu.memory_space<vmem>> -> memref<80x128xf32, #tpu.memory_space<vmem>>
    tpu.wait_dma2 semaphore(%arg13 : memref<!tpu.dma_semaphore, #tpu.memory_space<semaphore_mem>>) src(%dma_wait3A_221 : memref<80x128xf32, #tpu.memory_space<vmem>>) dst(%dma_wait3A_217 : memref<80x128xf32, #tpu.memory_space<vmem_shared>>)
    %dma_wait3A_222 = arith.constant 0 : i32
    %dma_wait3A_223 = tpu.memref_slice %arg11[%multiple_of3A, %dma_wait3A_222] : memref<10240x16xf32, #tpu.memory_space<vmem_shared>> -> memref<80x16xf32, #tpu.memory_space<vmem_shared>>
    %dma_wait3A_224 = arith.constant 0 : i32
    %dma_wait3A_225 = tpu.memref_slice %arg11[%multiple_of3A, %dma_wait3A_224] : memref<10240x16xf32, #tpu.memory_space<vmem_shared>> -> memref<80x16xf32, #tpu.memory_space<vmem_shared>>
    tpu.wait_dma2 semaphore(%arg14 : memref<!tpu.dma_semaphore, #tpu.memory_space<semaphore_mem>>) src(%arg9 : memref<80x16xf32, #tpu.memory_space<vmem>>) dst(%dma_wait3A_225 : memref<80x16xf32, #tpu.memory_space<vmem_shared>>)
    %dma_wait3A_226 = arith.constant 0 : i32
    %dma_wait3A_227 = arith.constant 0 : i32
    %dma_wait3A_228 = arith.constant 0 : i32
    %dma_wait3A_229 = tpu.memref_slice %arg8[%dma_wait3A_226, %dma_wait3A_227, %dma_wait3A_228] : memref<3x80x128xf32, #tpu.memory_space<vmem>> -> memref<1x80x128xf32, #tpu.memory_space<vmem>>
    %dma_wait3A_230 = tpu.memref_squeeze %dma_wait3A_229 : memref<1x80x128xf32, #tpu.memory_space<vmem>> -> memref<80x128xf32, #tpu.memory_space<vmem>>
    %dma_wait3A_231 = arith.constant 0 : i32
    %dma_wait3A_232 = tpu.memref_slice %arg10[%multiple_of3A, %dma_wait3A_231] : memref<10240x128xf32, #tpu.memory_space<vmem_shared>> -> memref<80x128xf32, #tpu.memory_space<vmem_shared>>
    %dma_wait3A_233 = arith.constant 0 : i32
    %dma_wait3A_234 = tpu.memref_slice %arg10[%multiple_of3A, %dma_wait3A_233] : memref<10240x128xf32, #tpu.memory_space<vmem_shared>> -> memref<80x128xf32, #tpu.memory_space<vmem_shared>>
    %dma_wait3A_235 = arith.constant 0 : i32
    %dma_wait3A_236 = arith.constant 0 : i32
    %dma_wait3A_237 = tpu.memref_slice %arg8[%dma_wait3A_226, %dma_wait3A_235, %dma_wait3A_236] : memref<3x80x128xf32, #tpu.memory_space<vmem>> -> memref<1x80x128xf32, #tpu.memory_space<vmem>>
    %dma_wait3A_238 = tpu.memref_squeeze %dma_wait3A_237 : memref<1x80x128xf32, #tpu.memory_space<vmem>> -> memref<80x128xf32, #tpu.memory_space<vmem>>
    tpu.wait_dma2 semaphore(%arg13 : memref<!tpu.dma_semaphore, #tpu.memory_space<semaphore_mem>>) src(%dma_wait3A_238 : memref<80x128xf32, #tpu.memory_space<vmem>>) dst(%dma_wait3A_234 : memref<80x128xf32, #tpu.memory_space<vmem_shared>>)
    %dma_wait3A_239 = arith.constant 0 : i32
    %dma_wait3A_240 = tpu.memref_slice %arg11[%multiple_of3A, %dma_wait3A_239] : memref<10240x16xf32, #tpu.memory_space<vmem_shared>> -> memref<80x16xf32, #tpu.memory_space<vmem_shared>>
    %dma_wait3A_241 = arith.constant 0 : i32
    %dma_wait3A_242 = tpu.memref_slice %arg11[%multiple_of3A, %dma_wait3A_241] : memref<10240x16xf32, #tpu.memory_space<vmem_shared>> -> memref<80x16xf32, #tpu.memory_space<vmem_shared>>
    tpu.wait_dma2 semaphore(%arg14 : memref<!tpu.dma_semaphore, #tpu.memory_space<semaphore_mem>>) src(%arg9 : memref<80x16xf32, #tpu.memory_space<vmem>>) dst(%dma_wait3A_242 : memref<80x16xf32, #tpu.memory_space<vmem_shared>>)
    %dma_wait3A_243 = arith.constant 0 : i32
    %dma_wait3A_244 = arith.constant 0 : i32
    %dma_wait3A_245 = arith.constant 0 : i32
    %dma_wait3A_246 = tpu.memref_slice %arg8[%dma_wait3A_243, %dma_wait3A_244, %dma_wait3A_245] : memref<3x80x128xf32, #tpu.memory_space<vmem>> -> memref<1x80x128xf32, #tpu.memory_space<vmem>>
    %dma_wait3A_247 = tpu.memref_squeeze %dma_wait3A_246 : memref<1x80x128xf32, #tpu.memory_space<vmem>> -> memref<80x128xf32, #tpu.memory_space<vmem>>
    %dma_wait3A_248 = arith.constant 0 : i32
    %dma_wait3A_249 = tpu.memref_slice %arg10[%multiple_of3A, %dma_wait3A_248] : memref<10240x128xf32, #tpu.memory_space<vmem_shared>> -> memref<80x128xf32, #tpu.memory_space<vmem_shared>>
    %dma_wait3A_250 = arith.constant 0 : i32
    %dma_wait3A_251 = tpu.memref_slice %arg10[%multiple_of3A, %dma_wait3A_250] : memref<10240x128xf32, #tpu.memory_space<vmem_shared>> -> memref<80x128xf32, #tpu.memory_space<vmem_shared>>
    %dma_wait3A_252 = arith.constant 0 : i32
    %dma_wait3A_253 = arith.constant 0 : i32
    %dma_wait3A_254 = tpu.memref_slice %arg8[%dma_wait3A_243, %dma_wait3A_252, %dma_wait3A_253] : memref<3x80x128xf32, #tpu.memory_space<vmem>> -> memref<1x80x128xf32, #tpu.memory_space<vmem>>
    %dma_wait3A_255 = tpu.memref_squeeze %dma_wait3A_254 : memref<1x80x128xf32, #tpu.memory_space<vmem>> -> memref<80x128xf32, #tpu.memory_space<vmem>>
    tpu.wait_dma2 semaphore(%arg13 : memref<!tpu.dma_semaphore, #tpu.memory_space<semaphore_mem>>) src(%dma_wait3A_255 : memref<80x128xf32, #tpu.memory_space<vmem>>) dst(%dma_wait3A_251 : memref<80x128xf32, #tpu.memory_space<vmem_shared>>)
    %dma_wait3A_256 = arith.constant 0 : i32
    %dma_wait3A_257 = tpu.memref_slice %arg11[%multiple_of3A, %dma_wait3A_256] : memref<10240x16xf32, #tpu.memory_space<vmem_shared>> -> memref<80x16xf32, #tpu.memory_space<vmem_shared>>
    %dma_wait3A_258 = arith.constant 0 : i32
    %dma_wait3A_259 = tpu.memref_slice %arg11[%multiple_of3A, %dma_wait3A_258] : memref<10240x16xf32, #tpu.memory_space<vmem_shared>> -> memref<80x16xf32, #tpu.memory_space<vmem_shared>>
    tpu.wait_dma2 semaphore(%arg14 : memref<!tpu.dma_semaphore, #tpu.memory_space<semaphore_mem>>) src(%arg9 : memref<80x16xf32, #tpu.memory_space<vmem>>) dst(%dma_wait3A_259 : memref<80x16xf32, #tpu.memory_space<vmem_shared>>)
    %dma_wait3A_260 = arith.constant 0 : i32
    %dma_wait3A_261 = arith.constant 0 : i32
    %dma_wait3A_262 = arith.constant 0 : i32
    %dma_wait3A_263 = tpu.memref_slice %arg8[%dma_wait3A_260, %dma_wait3A_261, %dma_wait3A_262] : memref<3x80x128xf32, #tpu.memory_space<vmem>> -> memref<1x80x128xf32, #tpu.memory_space<vmem>>
    %dma_wait3A_264 = tpu.memref_squeeze %dma_wait3A_263 : memref<1x80x128xf32, #tpu.memory_space<vmem>> -> memref<80x128xf32, #tpu.memory_space<vmem>>
    %dma_wait3A_265 = arith.constant 0 : i32
    %dma_wait3A_266 = tpu.memref_slice %arg10[%multiple_of3A, %dma_wait3A_265] : memref<10240x128xf32, #tpu.memory_space<vmem_shared>> -> memref<80x128xf32, #tpu.memory_space<vmem_shared>>
    %dma_wait3A_267 = arith.constant 0 : i32
    %dma_wait3A_268 = tpu.memref_slice %arg10[%multiple_of3A, %dma_wait3A_267] : memref<10240x128xf32, #tpu.memory_space<vmem_shared>> -> memref<80x128xf32, #tpu.memory_space<vmem_shared>>
    %dma_wait3A_269 = arith.constant 0 : i32
    %dma_wait3A_270 = arith.constant 0 : i32
    %dma_wait3A_271 = tpu.memref_slice %arg8[%dma_wait3A_260, %dma_wait3A_269, %dma_wait3A_270] : memref<3x80x128xf32, #tpu.memory_space<vmem>> -> memref<1x80x128xf32, #tpu.memory_space<vmem>>
    %dma_wait3A_272 = tpu.memref_squeeze %dma_wait3A_271 : memref<1x80x128xf32, #tpu.memory_space<vmem>> -> memref<80x128xf32, #tpu.memory_space<vmem>>
    tpu.wait_dma2 semaphore(%arg13 : memref<!tpu.dma_semaphore, #tpu.memory_space<semaphore_mem>>) src(%dma_wait3A_272 : memref<80x128xf32, #tpu.memory_space<vmem>>) dst(%dma_wait3A_268 : memref<80x128xf32, #tpu.memory_space<vmem_shared>>)
    %dma_wait3A_273 = arith.constant 0 : i32
    %dma_wait3A_274 = tpu.memref_slice %arg11[%multiple_of3A, %dma_wait3A_273] : memref<10240x16xf32, #tpu.memory_space<vmem_shared>> -> memref<80x16xf32, #tpu.memory_space<vmem_shared>>
    %dma_wait3A_275 = arith.constant 0 : i32
    %dma_wait3A_276 = tpu.memref_slice %arg11[%multiple_of3A, %dma_wait3A_275] : memref<10240x16xf32, #tpu.memory_space<vmem_shared>> -> memref<80x16xf32, #tpu.memory_space<vmem_shared>>
    tpu.wait_dma2 semaphore(%arg14 : memref<!tpu.dma_semaphore, #tpu.memory_space<semaphore_mem>>) src(%arg9 : memref<80x16xf32, #tpu.memory_space<vmem>>) dst(%dma_wait3A_276 : memref<80x16xf32, #tpu.memory_space<vmem_shared>>)
    %dma_wait3A_277 = arith.constant 0 : i32
    %dma_wait3A_278 = arith.constant 0 : i32
    %dma_wait3A_279 = arith.constant 0 : i32
    %dma_wait3A_280 = tpu.memref_slice %arg8[%dma_wait3A_277, %dma_wait3A_278, %dma_wait3A_279] : memref<3x80x128xf32, #tpu.memory_space<vmem>> -> memref<1x80x128xf32, #tpu.memory_space<vmem>>
    %dma_wait3A_281 = tpu.memref_squeeze %dma_wait3A_280 : memref<1x80x128xf32, #tpu.memory_space<vmem>> -> memref<80x128xf32, #tpu.memory_space<vmem>>
    %dma_wait3A_282 = arith.constant 0 : i32
    %dma_wait3A_283 = tpu.memref_slice %arg10[%multiple_of3A, %dma_wait3A_282] : memref<10240x128xf32, #tpu.memory_space<vmem_shared>> -> memref<80x128xf32, #tpu.memory_space<vmem_shared>>
    %dma_wait3A_284 = arith.constant 0 : i32
    %dma_wait3A_285 = tpu.memref_slice %arg10[%multiple_of3A, %dma_wait3A_284] : memref<10240x128xf32, #tpu.memory_space<vmem_shared>> -> memref<80x128xf32, #tpu.memory_space<vmem_shared>>
    %dma_wait3A_286 = arith.constant 0 : i32
    %dma_wait3A_287 = arith.constant 0 : i32
    %dma_wait3A_288 = tpu.memref_slice %arg8[%dma_wait3A_277, %dma_wait3A_286, %dma_wait3A_287] : memref<3x80x128xf32, #tpu.memory_space<vmem>> -> memref<1x80x128xf32, #tpu.memory_space<vmem>>
    %dma_wait3A_289 = tpu.memref_squeeze %dma_wait3A_288 : memref<1x80x128xf32, #tpu.memory_space<vmem>> -> memref<80x128xf32, #tpu.memory_space<vmem>>
    tpu.wait_dma2 semaphore(%arg13 : memref<!tpu.dma_semaphore, #tpu.memory_space<semaphore_mem>>) src(%dma_wait3A_289 : memref<80x128xf32, #tpu.memory_space<vmem>>) dst(%dma_wait3A_285 : memref<80x128xf32, #tpu.memory_space<vmem_shared>>)
    %dma_wait3A_290 = arith.constant 0 : i32
    %dma_wait3A_291 = tpu.memref_slice %arg11[%multiple_of3A, %dma_wait3A_290] : memref<10240x16xf32, #tpu.memory_space<vmem_shared>> -> memref<80x16xf32, #tpu.memory_space<vmem_shared>>
    %dma_wait3A_292 = arith.constant 0 : i32
    %dma_wait3A_293 = tpu.memref_slice %arg11[%multiple_of3A, %dma_wait3A_292] : memref<10240x16xf32, #tpu.memory_space<vmem_shared>> -> memref<80x16xf32, #tpu.memory_space<vmem_shared>>
    tpu.wait_dma2 semaphore(%arg14 : memref<!tpu.dma_semaphore, #tpu.memory_space<semaphore_mem>>) src(%arg9 : memref<80x16xf32, #tpu.memory_space<vmem>>) dst(%dma_wait3A_293 : memref<80x16xf32, #tpu.memory_space<vmem_shared>>)
    %dma_wait3A_294 = arith.constant 0 : i32
    %dma_wait3A_295 = arith.constant 0 : i32
    %dma_wait3A_296 = arith.constant 0 : i32
    %dma_wait3A_297 = tpu.memref_slice %arg8[%dma_wait3A_294, %dma_wait3A_295, %dma_wait3A_296] : memref<3x80x128xf32, #tpu.memory_space<vmem>> -> memref<1x80x128xf32, #tpu.memory_space<vmem>>
    %dma_wait3A_298 = tpu.memref_squeeze %dma_wait3A_297 : memref<1x80x128xf32, #tpu.memory_space<vmem>> -> memref<80x128xf32, #tpu.memory_space<vmem>>
    %dma_wait3A_299 = arith.constant 0 : i32
    %dma_wait3A_300 = tpu.memref_slice %arg10[%multiple_of3A, %dma_wait3A_299] : memref<10240x128xf32, #tpu.memory_space<vmem_shared>> -> memref<80x128xf32, #tpu.memory_space<vmem_shared>>
    %dma_wait3A_301 = arith.constant 0 : i32
    %dma_wait3A_302 = tpu.memref_slice %arg10[%multiple_of3A, %dma_wait3A_301] : memref<10240x128xf32, #tpu.memory_space<vmem_shared>> -> memref<80x128xf32, #tpu.memory_space<vmem_shared>>
    %dma_wait3A_303 = arith.constant 0 : i32
    %dma_wait3A_304 = arith.constant 0 : i32
    %dma_wait3A_305 = tpu.memref_slice %arg8[%dma_wait3A_294, %dma_wait3A_303, %dma_wait3A_304] : memref<3x80x128xf32, #tpu.memory_space<vmem>> -> memref<1x80x128xf32, #tpu.memory_space<vmem>>
    %dma_wait3A_306 = tpu.memref_squeeze %dma_wait3A_305 : memref<1x80x128xf32, #tpu.memory_space<vmem>> -> memref<80x128xf32, #tpu.memory_space<vmem>>
    tpu.wait_dma2 semaphore(%arg13 : memref<!tpu.dma_semaphore, #tpu.memory_space<semaphore_mem>>) src(%dma_wait3A_306 : memref<80x128xf32, #tpu.memory_space<vmem>>) dst(%dma_wait3A_302 : memref<80x128xf32, #tpu.memory_space<vmem_shared>>)
    %dma_wait3A_307 = arith.constant 0 : i32
    %dma_wait3A_308 = tpu.memref_slice %arg11[%multiple_of3A, %dma_wait3A_307] : memref<10240x16xf32, #tpu.memory_space<vmem_shared>> -> memref<80x16xf32, #tpu.memory_space<vmem_shared>>
    %dma_wait3A_309 = arith.constant 0 : i32
    %dma_wait3A_310 = tpu.memref_slice %arg11[%multiple_of3A, %dma_wait3A_309] : memref<10240x16xf32, #tpu.memory_space<vmem_shared>> -> memref<80x16xf32, #tpu.memory_space<vmem_shared>>
    tpu.wait_dma2 semaphore(%arg14 : memref<!tpu.dma_semaphore, #tpu.memory_space<semaphore_mem>>) src(%arg9 : memref<80x16xf32, #tpu.memory_space<vmem>>) dst(%dma_wait3A_310 : memref<80x16xf32, #tpu.memory_space<vmem_shared>>)
    %dma_wait3A_311 = arith.constant 0 : i32
    %dma_wait3A_312 = arith.constant 0 : i32
    %dma_wait3A_313 = arith.constant 0 : i32
    %dma_wait3A_314 = tpu.memref_slice %arg8[%dma_wait3A_311, %dma_wait3A_312, %dma_wait3A_313] : memref<3x80x128xf32, #tpu.memory_space<vmem>> -> memref<1x80x128xf32, #tpu.memory_space<vmem>>
    %dma_wait3A_315 = tpu.memref_squeeze %dma_wait3A_314 : memref<1x80x128xf32, #tpu.memory_space<vmem>> -> memref<80x128xf32, #tpu.memory_space<vmem>>
    %dma_wait3A_316 = arith.constant 0 : i32
    %dma_wait3A_317 = tpu.memref_slice %arg10[%multiple_of3A, %dma_wait3A_316] : memref<10240x128xf32, #tpu.memory_space<vmem_shared>> -> memref<80x128xf32, #tpu.memory_space<vmem_shared>>
    %dma_wait3A_318 = arith.constant 0 : i32
    %dma_wait3A_319 = tpu.memref_slice %arg10[%multiple_of3A, %dma_wait3A_318] : memref<10240x128xf32, #tpu.memory_space<vmem_shared>> -> memref<80x128xf32, #tpu.memory_space<vmem_shared>>
    %dma_wait3A_320 = arith.constant 0 : i32
    %dma_wait3A_321 = arith.constant 0 : i32
    %dma_wait3A_322 = tpu.memref_slice %arg8[%dma_wait3A_311, %dma_wait3A_320, %dma_wait3A_321] : memref<3x80x128xf32, #tpu.memory_space<vmem>> -> memref<1x80x128xf32, #tpu.memory_space<vmem>>
    %dma_wait3A_323 = tpu.memref_squeeze %dma_wait3A_322 : memref<1x80x128xf32, #tpu.memory_space<vmem>> -> memref<80x128xf32, #tpu.memory_space<vmem>>
    tpu.wait_dma2 semaphore(%arg13 : memref<!tpu.dma_semaphore, #tpu.memory_space<semaphore_mem>>) src(%dma_wait3A_323 : memref<80x128xf32, #tpu.memory_space<vmem>>) dst(%dma_wait3A_319 : memref<80x128xf32, #tpu.memory_space<vmem_shared>>)
    %dma_wait3A_324 = arith.constant 0 : i32
    %dma_wait3A_325 = tpu.memref_slice %arg11[%multiple_of3A, %dma_wait3A_324] : memref<10240x16xf32, #tpu.memory_space<vmem_shared>> -> memref<80x16xf32, #tpu.memory_space<vmem_shared>>
    %dma_wait3A_326 = arith.constant 0 : i32
    %dma_wait3A_327 = tpu.memref_slice %arg11[%multiple_of3A, %dma_wait3A_326] : memref<10240x16xf32, #tpu.memory_space<vmem_shared>> -> memref<80x16xf32, #tpu.memory_space<vmem_shared>>
    tpu.wait_dma2 semaphore(%arg14 : memref<!tpu.dma_semaphore, #tpu.memory_space<semaphore_mem>>) src(%arg9 : memref<80x16xf32, #tpu.memory_space<vmem>>) dst(%dma_wait3A_327 : memref<80x16xf32, #tpu.memory_space<vmem_shared>>)
    %dma_wait3A_328 = arith.constant 0 : i32
    %dma_wait3A_329 = arith.constant 0 : i32
    %dma_wait3A_330 = arith.constant 0 : i32
    %dma_wait3A_331 = tpu.memref_slice %arg8[%dma_wait3A_328, %dma_wait3A_329, %dma_wait3A_330] : memref<3x80x128xf32, #tpu.memory_space<vmem>> -> memref<1x80x128xf32, #tpu.memory_space<vmem>>
    %dma_wait3A_332 = tpu.memref_squeeze %dma_wait3A_331 : memref<1x80x128xf32, #tpu.memory_space<vmem>> -> memref<80x128xf32, #tpu.memory_space<vmem>>
    %dma_wait3A_333 = arith.constant 0 : i32
    %dma_wait3A_334 = tpu.memref_slice %arg10[%multiple_of3A, %dma_wait3A_333] : memref<10240x128xf32, #tpu.memory_space<vmem_shared>> -> memref<80x128xf32, #tpu.memory_space<vmem_shared>>
    %dma_wait3A_335 = arith.constant 0 : i32
    %dma_wait3A_336 = tpu.memref_slice %arg10[%multiple_of3A, %dma_wait3A_335] : memref<10240x128xf32, #tpu.memory_space<vmem_shared>> -> memref<80x128xf32, #tpu.memory_space<vmem_shared>>
    %dma_wait3A_337 = arith.constant 0 : i32
    %dma_wait3A_338 = arith.constant 0 : i32
    %dma_wait3A_339 = tpu.memref_slice %arg8[%dma_wait3A_328, %dma_wait3A_337, %dma_wait3A_338] : memref<3x80x128xf32, #tpu.memory_space<vmem>> -> memref<1x80x128xf32, #tpu.memory_space<vmem>>
    %dma_wait3A_340 = tpu.memref_squeeze %dma_wait3A_339 : memref<1x80x128xf32, #tpu.memory_space<vmem>> -> memref<80x128xf32, #tpu.memory_space<vmem>>
    tpu.wait_dma2 semaphore(%arg13 : memref<!tpu.dma_semaphore, #tpu.memory_space<semaphore_mem>>) src(%dma_wait3A_340 : memref<80x128xf32, #tpu.memory_space<vmem>>) dst(%dma_wait3A_336 : memref<80x128xf32, #tpu.memory_space<vmem_shared>>)
    %dma_wait3A_341 = arith.constant 0 : i32
    %dma_wait3A_342 = tpu.memref_slice %arg11[%multiple_of3A, %dma_wait3A_341] : memref<10240x16xf32, #tpu.memory_space<vmem_shared>> -> memref<80x16xf32, #tpu.memory_space<vmem_shared>>
    %dma_wait3A_343 = arith.constant 0 : i32
    %dma_wait3A_344 = tpu.memref_slice %arg11[%multiple_of3A, %dma_wait3A_343] : memref<10240x16xf32, #tpu.memory_space<vmem_shared>> -> memref<80x16xf32, #tpu.memory_space<vmem_shared>>
    tpu.wait_dma2 semaphore(%arg14 : memref<!tpu.dma_semaphore, #tpu.memory_space<semaphore_mem>>) src(%arg9 : memref<80x16xf32, #tpu.memory_space<vmem>>) dst(%dma_wait3A_344 : memref<80x16xf32, #tpu.memory_space<vmem_shared>>)
    %scan3A_345 = arith.constant 0 : i32
    %scan3A_346 = arith.constant 0 : i32
    %scan3A_347 = arith.constant 80 : i32
    %scan3A_348 = arith.addi %scan3A_346, %scan3A_347 : i32
    %scan3A_349 = arith.constant 1 : i32
    scf.for %scan3A_433 = %scan3A_346 to %scan3A_348 step %scan3A_349  : i32 {
      %broadcast_in_dim3A = arith.constant 1.000000e+00 : f32
      %broadcast_in_dim3A_434 = vector.broadcast %broadcast_in_dim3A : f32 to vector<16xf32>
      %swap3A = arith.index_cast %scan3A_433 : i32 to index
      %swap3A_435 = arith.constant 0 : index
      %swap3A_436 = tpu.vector_load %arg9[%swap3A, %swap3A_435] {strides = array<i32>} : memref<80x16xf32, #tpu.memory_space<vmem>>, vector<1x16xf32>,
      %swap3A_437 = vector.shape_cast %swap3A_436 : vector<1x16xf32> to vector<16xf32>
      %swap3A_438 = vector.shape_cast %broadcast_in_dim3A_434 : vector<16xf32> to vector<1x16xf32>
      tpu.vector_store %arg9[%swap3A, %swap3A_435], %swap3A_438 {strides = array<i32>} : memref<80x16xf32, #tpu.memory_space<vmem>>, vector<1x16xf32>,
    }
    %scan3A_350 = arith.constant 80 : i32
    %dma_wait3A_351 = arith.constant 1 : i32
    %dma_wait3A_352 = tpu.memref_slice %arg3[%dma_wait3A_351, %mul3A_2] : memref<2x320000xi32, #tpu.memory_space<hbm>> -> memref<1x6000xi32, #tpu.memory_space<hbm>>
    %dma_wait3A_353 = tpu.memref_squeeze %dma_wait3A_352 : memref<1x6000xi32, #tpu.memory_space<hbm>> -> memref<6000xi32, #tpu.memory_space<hbm>>
    %dma_wait3A_354 = tpu.memref_slice %arg3[%dma_wait3A_351, %mul3A_2] : memref<2x320000xi32, #tpu.memory_space<hbm>> -> memref<1x6000xi32, #tpu.memory_space<hbm>>
    %dma_wait3A_355 = tpu.memref_squeeze %dma_wait3A_354 : memref<1x6000xi32, #tpu.memory_space<hbm>> -> memref<6000xi32, #tpu.memory_space<hbm>>
    tpu.wait_dma2 semaphore(%arg16 : memref<!tpu.dma_semaphore, #tpu.memory_space<semaphore_mem>>) src(%dma_wait3A_355 : memref<6000xi32, #tpu.memory_space<hbm>>) dst(%arg7 : memref<6000xi32, #tpu.memory_space<vmem>>)
    %jit3A = arith.constant true
    %jit3A_356 = arith.constant 0 : i32
    %jit3A_357 = arith.constant -6000 : i32
    %select_n3A = arith.select %jit3A, %jit3A_356, %jit3A_357 : i32
    %multiple_of3A_358 = tpu.assume_multiple %select_n3A, 8 : i32
    %dma_start3A_359 = arith.constant 0 : i32
    %dma_start3A_360 = arith.constant 0 : i32
    %dma_start3A_361 = arith.constant 0 : i32
    %dma_start3A_362 = tpu.memref_slice %arg8[%dma_start3A_359, %dma_start3A_360, %dma_start3A_361] : memref<3x80x128xf32, #tpu.memory_space<vmem>> -> memref<1x80x128xf32, #tpu.memory_space<vmem>>
    %dma_start3A_363 = tpu.memref_squeeze %dma_start3A_362 : memref<1x80x128xf32, #tpu.memory_space<vmem>> -> memref<80x128xf32, #tpu.memory_space<vmem>>
    %dma_start3A_364 = tpu.memref_slice %arg7[%multiple_of3A_358] : memref<6000xi32, #tpu.memory_space<vmem>> -> memref<80xi32, #tpu.memory_space<vmem>>
    %dma_start3A_365 = arith.constant 0 : i32
    %dma_start3A_366 = arith.constant 0 : i32
    %dma_start3A_367 = tpu.memref_slice %arg2[%dma_start3A_365, %dma_start3A_366] : memref<10000x128xf32, #tpu.memory_space<hbm>> -> memref<10000x128xf32, #tpu.memory_space<hbm>>
    tpu.enqueue_indirect_dma source(%dma_start3A_367 : memref<10000x128xf32, #tpu.memory_space<hbm>>) target(%dma_start3A_363 : memref<80x128xf32, #tpu.memory_space<vmem>>) offsets(%dma_start3A_364 : memref<80xi32, #tpu.memory_space<vmem>>) semaphore(%arg12 : memref<!tpu.dma_semaphore, #tpu.memory_space<semaphore_mem>>)
    %barrier3A = arith.constant 0 : index
    tpu.barrier barrier_id(%barrier3A)
    %scan3A_368 = arith.constant 0 : i32
    %scan3A_369 = arith.constant 0 : i32
    %scan3A_370 = arith.constant 125 : i32
    %scan3A_371 = arith.addi %scan3A_369, %scan3A_370 : i32
    %scan3A_372 = arith.constant 1 : i32
    scf.for %scan3A_433 = %scan3A_369 to %scan3A_371 step %scan3A_372  : i32 {
      %ge3A = arith.constant 2 : i32
      %ge3A_434 = arith.cmpi sge, %scan3A_433, %ge3A : i32
      %convert_element_type3A = arith.extui %ge3A_434 : i1 to i32
      %cond3A = arith.constant 0 : i32
      %cond3A_435 = arith.cmpi ne, %convert_element_type3A, %cond3A : i32
      scf.if %cond3A_435 {
        %dma_wait3A_501 = arith.constant 0 : i32
        %dma_wait3A_502 = arith.constant 0 : i32
        %dma_wait3A_503 = arith.constant 0 : i32
        %dma_wait3A_504 = arith.constant 0 : i32
        %dma_wait3A_505 = tpu.memref_slice %arg8[%dma_wait3A_501, %dma_wait3A_503, %dma_wait3A_504] : memref<3x80x128xf32, #tpu.memory_space<vmem>> -> memref<1x80x128xf32, #tpu.memory_space<vmem>>
        %dma_wait3A_506 = tpu.memref_squeeze %dma_wait3A_505 : memref<1x80x128xf32, #tpu.memory_space<vmem>> -> memref<80x128xf32, #tpu.memory_space<vmem>>
        %dma_wait3A_507 = arith.constant 0 : i32
        %dma_wait3A_508 = tpu.memref_slice %arg6[%dma_wait3A_502, %dma_wait3A_507] : memref<4x80xi32, #tpu.memory_space<vmem>> -> memref<1x80xi32, #tpu.memory_space<vmem>>
        %dma_wait3A_509 = tpu.memref_squeeze %dma_wait3A_508 : memref<1x80xi32, #tpu.memory_space<vmem>> -> memref<80xi32, #tpu.memory_space<vmem>>
        %dma_wait3A_510 = arith.constant 0 : i32
        %dma_wait3A_511 = arith.constant 0 : i32
        %dma_wait3A_512 = tpu.memref_slice %arg10[%dma_wait3A_510, %dma_wait3A_511] : memref<10240x128xf32, #tpu.memory_space<vmem_shared>> -> memref<10240x128xf32, #tpu.memory_space<vmem_shared>>
        tpu.wait_indirect_dma semaphore(%arg13 : memref<!tpu.dma_semaphore, #tpu.memory_space<semaphore_mem>>) src(%dma_wait3A_506 : memref<80x128xf32, #tpu.memory_space<vmem>>) dst(%dma_wait3A_512 : memref<10240x128xf32, #tpu.memory_space<vmem_shared>>)
        %dma_wait3A_513 = arith.constant 0 : i32
        %dma_wait3A_514 = arith.constant 0 : i32
        %dma_wait3A_515 = tpu.memref_slice %arg6[%dma_wait3A_513, %dma_wait3A_514] : memref<4x80xi32, #tpu.memory_space<vmem>> -> memref<1x80xi32, #tpu.memory_space<vmem>>
        %dma_wait3A_516 = tpu.memref_squeeze %dma_wait3A_515 : memref<1x80xi32, #tpu.memory_space<vmem>> -> memref<80xi32, #tpu.memory_space<vmem>>
        %dma_wait3A_517 = arith.constant 0 : i32
        %dma_wait3A_518 = arith.constant 0 : i32
        %dma_wait3A_519 = tpu.memref_slice %arg11[%dma_wait3A_517, %dma_wait3A_518] : memref<10240x16xf32, #tpu.memory_space<vmem_shared>> -> memref<10240x16xf32, #tpu.memory_space<vmem_shared>>
        tpu.wait_indirect_dma semaphore(%arg14 : memref<!tpu.dma_semaphore, #tpu.memory_space<semaphore_mem>>) src(%arg9 : memref<80x16xf32, #tpu.memory_space<vmem>>) dst(%dma_wait3A_519 : memref<10240x16xf32, #tpu.memory_space<vmem_shared>>)
      } else {
      }
      %eq3A = arith.constant 50 : i32
      %eq3A_436 = arith.cmpi eq, %scan3A_433, %eq3A : i32
      %convert_element_type3A_437 = arith.extui %eq3A_436 : i1 to i32
      %cond3A_438 = arith.constant 0 : i32
      %cond3A_439 = arith.cmpi ne, %convert_element_type3A_437, %cond3A_438 : i32
      scf.if %cond3A_439 {
        %add3A_501 = arith.constant 6000 : i32
        %add3A_502 = arith.addi %mul3A_2, %add3A_501 : i32
        %dma_start3A_503 = arith.constant 1 : i32
        %dma_start3A_504 = arith.constant 0 : i32
        %dma_start3A_505 = tpu.memref_slice %arg7[%dma_start3A_504] : memref<6000xi32, #tpu.memory_space<vmem>> -> memref<4000xi32, #tpu.memory_space<vmem>>
        %dma_start3A_506 = tpu.memref_slice %arg3[%dma_start3A_503, %add3A_502] : memref<2x320000xi32, #tpu.memory_space<hbm>> -> memref<1x4000xi32, #tpu.memory_space<hbm>>
        %dma_start3A_507 = tpu.memref_squeeze %dma_start3A_506 : memref<1x4000xi32, #tpu.memory_space<hbm>> -> memref<4000xi32, #tpu.memory_space<hbm>>
        %dma_start3A_508 = arith.constant 0 : i32
        %dma_start3A_509 = tpu.memref_slice %arg7[%dma_start3A_508] : memref<6000xi32, #tpu.memory_space<vmem>> -> memref<4000xi32, #tpu.memory_space<vmem>>
        %dma_start3A_510 = tpu.memref_slice %arg3[%dma_start3A_503, %add3A_502] : memref<2x320000xi32, #tpu.memory_space<hbm>> -> memref<1x4000xi32, #tpu.memory_space<hbm>>
        %dma_start3A_511 = tpu.memref_squeeze %dma_start3A_510 : memref<1x4000xi32, #tpu.memory_space<hbm>> -> memref<4000xi32, #tpu.memory_space<hbm>>
        tpu.enqueue_dma source(%dma_start3A_511 : memref<4000xi32, #tpu.memory_space<hbm>>) target(%dma_start3A_509 : memref<4000xi32, #tpu.memory_space<vmem>>) target_semaphore(%arg16 : memref<!tpu.dma_semaphore, #tpu.memory_space<semaphore_mem>>)
      } else {
      }
      %eq3A_440 = arith.constant 74 : i32
      %eq3A_441 = arith.cmpi eq, %scan3A_433, %eq3A_440 : i32
      %convert_element_type3A_442 = arith.extui %eq3A_441 : i1 to i32
      %cond3A_443 = arith.constant 0 : i32
      %cond3A_444 = arith.cmpi ne, %convert_element_type3A_442, %cond3A_443 : i32
      scf.if %cond3A_444 {
        %add3A_501 = arith.constant 6000 : i32
        %add3A_502 = arith.addi %mul3A_2, %add3A_501 : i32
        %dma_wait3A_503 = arith.constant 1 : i32
        %dma_wait3A_504 = arith.constant 0 : i32
        %dma_wait3A_505 = tpu.memref_slice %arg7[%dma_wait3A_504] : memref<6000xi32, #tpu.memory_space<vmem>> -> memref<4000xi32, #tpu.memory_space<vmem>>
        %dma_wait3A_506 = tpu.memref_slice %arg3[%dma_wait3A_503, %add3A_502] : memref<2x320000xi32, #tpu.memory_space<hbm>> -> memref<1x4000xi32, #tpu.memory_space<hbm>>
        %dma_wait3A_507 = tpu.memref_squeeze %dma_wait3A_506 : memref<1x4000xi32, #tpu.memory_space<hbm>> -> memref<4000xi32, #tpu.memory_space<hbm>>
        %dma_wait3A_508 = arith.constant 0 : i32
        %dma_wait3A_509 = tpu.memref_slice %arg7[%dma_wait3A_508] : memref<6000xi32, #tpu.memory_space<vmem>> -> memref<4000xi32, #tpu.memory_space<vmem>>
        %dma_wait3A_510 = tpu.memref_slice %arg3[%dma_wait3A_503, %add3A_502] : memref<2x320000xi32, #tpu.memory_space<hbm>> -> memref<1x4000xi32, #tpu.memory_space<hbm>>
        %dma_wait3A_511 = tpu.memref_squeeze %dma_wait3A_510 : memref<1x4000xi32, #tpu.memory_space<hbm>> -> memref<4000xi32, #tpu.memory_space<hbm>>
        tpu.wait_dma2 semaphore(%arg16 : memref<!tpu.dma_semaphore, #tpu.memory_space<semaphore_mem>>) src(%dma_wait3A_511 : memref<4000xi32, #tpu.memory_space<hbm>>) dst(%dma_wait3A_509 : memref<4000xi32, #tpu.memory_space<vmem>>)
      } else {
      }
      %add3A_445 = arith.constant 1 : i32
      %add3A_446 = arith.addi %scan3A_433, %add3A_445 : i32
      %lt3A = arith.constant 125 : i32
      %lt3A_447 = arith.cmpi slt, %add3A_446, %lt3A : i32
      %convert_element_type3A_448 = arith.extui %lt3A_447 : i1 to i32
      %cond3A_449 = arith.constant 0 : i32
      %cond3A_450 = arith.cmpi ne, %convert_element_type3A_448, %cond3A_449 : i32
      scf.if %cond3A_450 {
        %add3A_501 = arith.constant 1 : i32
        %add3A_502 = arith.addi %scan3A_433, %add3A_501 : i32
        %add3A_503 = arith.constant 1 : i32
        %add3A_504 = arith.addi %scan3A_433, %add3A_503 : i32
        %rem3A_505 = arith.constant 3 : i32
        %rem3A_506 = arith.remsi %add3A_504, %rem3A_505 : i32
        %lt3A_507 = arith.constant 75 : i32
        %lt3A_508 = arith.cmpi slt, %add3A_502, %lt3A_507 : i32
        %mul3A_509 = arith.constant 80 : i32
        %mul3A_510 = arith.muli %add3A_502, %mul3A_509 : i32
        %sub3A = arith.constant 75 : i32
        %sub3A_511 = arith.subi %add3A_502, %sub3A : i32
        %mul3A_512 = arith.constant 80 : i32
        %mul3A_513 = arith.muli %sub3A_511, %mul3A_512 : i32
        %select_n3A_514 = arith.select %lt3A_508, %mul3A_510, %mul3A_513 : i32
        %multiple_of3A_515 = tpu.assume_multiple %select_n3A_514, 8 : i32
        %dma_start3A_516 = arith.constant 0 : i32
        %dma_start3A_517 = arith.constant 0 : i32
        %dma_start3A_518 = tpu.memref_slice %arg8[%rem3A_506, %dma_start3A_516, %dma_start3A_517] : memref<3x80x128xf32, #tpu.memory_space<vmem>> -> memref<1x80x128xf32, #tpu.memory_space<vmem>>
        %dma_start3A_519 = tpu.memref_squeeze %dma_start3A_518 : memref<1x80x128xf32, #tpu.memory_space<vmem>> -> memref<80x128xf32, #tpu.memory_space<vmem>>
        %dma_start3A_520 = tpu.memref_slice %arg7[%multiple_of3A_515] : memref<6000xi32, #tpu.memory_space<vmem>> -> memref<80xi32, #tpu.memory_space<vmem>>
        %dma_start3A_521 = arith.constant 0 : i32
        %dma_start3A_522 = arith.constant 0 : i32
        %dma_start3A_523 = tpu.memref_slice %arg2[%dma_start3A_521, %dma_start3A_522] : memref<10000x128xf32, #tpu.memory_space<hbm>> -> memref<10000x128xf32, #tpu.memory_space<hbm>>
        tpu.enqueue_indirect_dma source(%dma_start3A_523 : memref<10000x128xf32, #tpu.memory_space<hbm>>) target(%dma_start3A_519 : memref<80x128xf32, #tpu.memory_space<vmem>>) offsets(%dma_start3A_520 : memref<80xi32, #tpu.memory_space<vmem>>) semaphore(%arg12 : memref<!tpu.dma_semaphore, #tpu.memory_space<semaphore_mem>>)
      } else {
      }
      %add3A_451 = arith.constant 2 : i32
      %add3A_452 = arith.addi %scan3A_433, %add3A_451 : i32
      %lt3A_453 = arith.constant 125 : i32
      %lt3A_454 = arith.cmpi slt, %add3A_452, %lt3A_453 : i32
      %convert_element_type3A_455 = arith.extui %lt3A_454 : i1 to i32
      %cond3A_456 = arith.constant 0 : i32
      %cond3A_457 = arith.cmpi ne, %convert_element_type3A_455, %cond3A_456 : i32
      scf.if %cond3A_457 {
        %add3A_501 = arith.constant 2 : i32
        %add3A_502 = arith.addi %scan3A_433, %add3A_501 : i32
        %add3A_503 = arith.constant 2 : i32
        %add3A_504 = arith.addi %scan3A_433, %add3A_503 : i32
        %rem3A_505 = arith.constant 4 : i32
        %rem3A_506 = arith.remsi %add3A_504, %rem3A_505 : i32
        %mul3A_507 = arith.constant 80 : i32
        %mul3A_508 = arith.muli %add3A_502, %mul3A_507 : i32
        %add3A_509 = arith.addi %mul3A_2, %mul3A_508 : i32
        %dma_start3A_510 = arith.constant 0 : i32
        %dma_start3A_511 = arith.constant 0 : i32
        %dma_start3A_512 = tpu.memref_slice %arg6[%rem3A_506, %dma_start3A_511] : memref<4x80xi32, #tpu.memory_space<vmem>> -> memref<1x80xi32, #tpu.memory_space<vmem>>
        %dma_start3A_513 = tpu.memref_squeeze %dma_start3A_512 : memref<1x80xi32, #tpu.memory_space<vmem>> -> memref<80xi32, #tpu.memory_space<vmem>>
        %dma_start3A_514 = tpu.memref_slice %arg3[%dma_start3A_510, %add3A_509] : memref<2x320000xi32, #tpu.memory_space<hbm>> -> memref<1x80xi32, #tpu.memory_space<hbm>>
        %dma_start3A_515 = tpu.memref_squeeze %dma_start3A_514 : memref<1x80xi32, #tpu.memory_space<hbm>> -> memref<80xi32, #tpu.memory_space<hbm>>
        %dma_start3A_516 = arith.constant 0 : i32
        %dma_start3A_517 = tpu.memref_slice %arg6[%rem3A_506, %dma_start3A_516] : memref<4x80xi32, #tpu.memory_space<vmem>> -> memref<1x80xi32, #tpu.memory_space<vmem>>
        %dma_start3A_518 = tpu.memref_squeeze %dma_start3A_517 : memref<1x80xi32, #tpu.memory_space<vmem>> -> memref<80xi32, #tpu.memory_space<vmem>>
        %dma_start3A_519 = tpu.memref_slice %arg3[%dma_start3A_510, %add3A_509] : memref<2x320000xi32, #tpu.memory_space<hbm>> -> memref<1x80xi32, #tpu.memory_space<hbm>>
        %dma_start3A_520 = tpu.memref_squeeze %dma_start3A_519 : memref<1x80xi32, #tpu.memory_space<hbm>> -> memref<80xi32, #tpu.memory_space<hbm>>
        tpu.enqueue_dma source(%dma_start3A_520 : memref<80xi32, #tpu.memory_space<hbm>>) target(%dma_start3A_518 : memref<80xi32, #tpu.memory_space<vmem>>) target_semaphore(%arg15 : memref<!tpu.dma_semaphore, #tpu.memory_space<semaphore_mem>>)
      } else {
      }
      %dma_wait3A_458 = arith.constant 0 : i32
      %dma_wait3A_459 = arith.constant 0 : i32
      %dma_wait3A_460 = arith.constant 0 : i32
      %dma_wait3A_461 = tpu.memref_slice %arg8[%dma_wait3A_458, %dma_wait3A_459, %dma_wait3A_460] : memref<3x80x128xf32, #tpu.memory_space<vmem>> -> memref<1x80x128xf32, #tpu.memory_space<vmem>>
      %dma_wait3A_462 = tpu.memref_squeeze %dma_wait3A_461 : memref<1x80x128xf32, #tpu.memory_space<vmem>> -> memref<80x128xf32, #tpu.memory_space<vmem>>
      %dma_wait3A_463 = arith.constant 0 : i32
      %dma_wait3A_464 = tpu.memref_slice %arg7[%dma_wait3A_463] : memref<6000xi32, #tpu.memory_space<vmem>> -> memref<80xi32, #tpu.memory_space<vmem>>
      %dma_wait3A_465 = arith.constant 0 : i32
      %dma_wait3A_466 = arith.constant 0 : i32
      %dma_wait3A_467 = tpu.memref_slice %arg2[%dma_wait3A_465, %dma_wait3A_466] : memref<10000x128xf32, #tpu.memory_space<hbm>> -> memref<10000x128xf32, #tpu.memory_space<hbm>>
      tpu.wait_indirect_dma semaphore(%arg12 : memref<!tpu.dma_semaphore, #tpu.memory_space<semaphore_mem>>) src(%dma_wait3A_467 : memref<10000x128xf32, #tpu.memory_space<hbm>>) dst(%dma_wait3A_462 : memref<80x128xf32, #tpu.memory_space<vmem>>)
      %dma_wait3A_468 = arith.constant 0 : i32
      %dma_wait3A_469 = arith.constant 0 : i32
      %dma_wait3A_470 = arith.constant 0 : i32
      %dma_wait3A_471 = tpu.memref_slice %arg6[%dma_wait3A_469, %dma_wait3A_470] : memref<4x80xi32, #tpu.memory_space<vmem>> -> memref<1x80xi32, #tpu.memory_space<vmem>>
      %dma_wait3A_472 = tpu.memref_squeeze %dma_wait3A_471 : memref<1x80xi32, #tpu.memory_space<vmem>> -> memref<80xi32, #tpu.memory_space<vmem>>
      %dma_wait3A_473 = arith.constant 0 : i32
      %dma_wait3A_474 = tpu.memref_slice %arg3[%dma_wait3A_468, %dma_wait3A_473] : memref<2x320000xi32, #tpu.memory_space<hbm>> -> memref<1x80xi32, #tpu.memory_space<hbm>>
      %dma_wait3A_475 = tpu.memref_squeeze %dma_wait3A_474 : memref<1x80xi32, #tpu.memory_space<hbm>> -> memref<80xi32, #tpu.memory_space<hbm>>
      %dma_wait3A_476 = arith.constant 0 : i32
      %dma_wait3A_477 = tpu.memref_slice %arg6[%dma_wait3A_469, %dma_wait3A_476] : memref<4x80xi32, #tpu.memory_space<vmem>> -> memref<1x80xi32, #tpu.memory_space<vmem>>
      %dma_wait3A_478 = tpu.memref_squeeze %dma_wait3A_477 : memref<1x80xi32, #tpu.memory_space<vmem>> -> memref<80xi32, #tpu.memory_space<vmem>>
      %dma_wait3A_479 = arith.constant 0 : i32
      %dma_wait3A_480 = tpu.memref_slice %arg3[%dma_wait3A_468, %dma_wait3A_479] : memref<2x320000xi32, #tpu.memory_space<hbm>> -> memref<1x80xi32, #tpu.memory_space<hbm>>
      %dma_wait3A_481 = tpu.memref_squeeze %dma_wait3A_480 : memref<1x80xi32, #tpu.memory_space<hbm>> -> memref<80xi32, #tpu.memory_space<hbm>>
      tpu.wait_dma2 semaphore(%arg15 : memref<!tpu.dma_semaphore, #tpu.memory_space<semaphore_mem>>) src(%dma_wait3A_481 : memref<80xi32, #tpu.memory_space<hbm>>) dst(%dma_wait3A_478 : memref<80xi32, #tpu.memory_space<vmem>>)
      %rem3A = arith.constant 3 : i32
      %rem3A_482 = arith.remsi %scan3A_433, %rem3A : i32
      %rem3A_483 = arith.constant 4 : i32
      %rem3A_484 = arith.remsi %scan3A_433, %rem3A_483 : i32
      %dma_start3A_485 = arith.constant 0 : i32
      %dma_start3A_486 = arith.constant 0 : i32
      %dma_start3A_487 = tpu.memref_slice %arg8[%rem3A_482, %dma_start3A_485, %dma_start3A_486] : memref<3x80x128xf32, #tpu.memory_space<vmem>> -> memref<1x80x128xf32, #tpu.memory_space<vmem>>
      %dma_start3A_488 = tpu.memref_squeeze %dma_start3A_487 : memref<1x80x128xf32, #tpu.memory_space<vmem>> -> memref<80x128xf32, #tpu.memory_space<vmem>>
      %dma_start3A_489 = arith.constant 0 : i32
      %dma_start3A_490 = tpu.memref_slice %arg6[%rem3A_484, %dma_start3A_489] : memref<4x80xi32, #tpu.memory_space<vmem>> -> memref<1x80xi32, #tpu.memory_space<vmem>>
      %dma_start3A_491 = tpu.memref_squeeze %dma_start3A_490 : memref<1x80xi32, #tpu.memory_space<vmem>> -> memref<80xi32, #tpu.memory_space<vmem>>
      %dma_start3A_492 = arith.constant 0 : i32
      %dma_start3A_493 = arith.constant 0 : i32
      %dma_start3A_494 = tpu.memref_slice %arg10[%dma_start3A_492, %dma_start3A_493] : memref<10240x128xf32, #tpu.memory_space<vmem_shared>> -> memref<10240x128xf32, #tpu.memory_space<vmem_shared>>
      tpu.enqueue_indirect_dma source(%dma_start3A_488 : memref<80x128xf32, #tpu.memory_space<vmem>>) target(%dma_start3A_494 : memref<10240x128xf32, #tpu.memory_space<vmem_shared>>) offsets(%dma_start3A_491 : memref<80xi32, #tpu.memory_space<vmem>>) semaphore(%arg13 : memref<!tpu.dma_semaphore, #tpu.memory_space<semaphore_mem>>) {add = true}
      %dma_start3A_495 = arith.constant 0 : i32
      %dma_start3A_496 = tpu.memref_slice %arg6[%rem3A_484, %dma_start3A_495] : memref<4x80xi32, #tpu.memory_space<vmem>> -> memref<1x80xi32, #tpu.memory_space<vmem>>
      %dma_start3A_497 = tpu.memref_squeeze %dma_start3A_496 : memref<1x80xi32, #tpu.memory_space<vmem>> -> memref<80xi32, #tpu.memory_space<vmem>>
      %dma_start3A_498 = arith.constant 0 : i32
      %dma_start3A_499 = arith.constant 0 : i32
      %dma_start3A_500 = tpu.memref_slice %arg11[%dma_start3A_498, %dma_start3A_499] : memref<10240x16xf32, #tpu.memory_space<vmem_shared>> -> memref<10240x16xf32, #tpu.memory_space<vmem_shared>>
      tpu.enqueue_indirect_dma source(%arg9 : memref<80x16xf32, #tpu.memory_space<vmem>>) target(%dma_start3A_500 : memref<10240x16xf32, #tpu.memory_space<vmem_shared>>) offsets(%dma_start3A_497 : memref<80xi32, #tpu.memory_space<vmem>>) semaphore(%arg14 : memref<!tpu.dma_semaphore, #tpu.memory_space<semaphore_mem>>) {add = true}
    }
    %scan3A_373 = arith.constant 125 : i32
    %dma_wait3A_374 = arith.constant 0 : i32
    %dma_wait3A_375 = arith.constant 0 : i32
    %dma_wait3A_376 = arith.constant 0 : i32
    %dma_wait3A_377 = arith.constant 0 : i32
    %dma_wait3A_378 = tpu.memref_slice %arg8[%dma_wait3A_374, %dma_wait3A_376, %dma_wait3A_377] : memref<3x80x128xf32, #tpu.memory_space<vmem>> -> memref<1x80x128xf32, #tpu.memory_space<vmem>>
    %dma_wait3A_379 = tpu.memref_squeeze %dma_wait3A_378 : memref<1x80x128xf32, #tpu.memory_space<vmem>> -> memref<80x128xf32, #tpu.memory_space<vmem>>
    %dma_wait3A_380 = arith.constant 0 : i32
    %dma_wait3A_381 = tpu.memref_slice %arg6[%dma_wait3A_375, %dma_wait3A_380] : memref<4x80xi32, #tpu.memory_space<vmem>> -> memref<1x80xi32, #tpu.memory_space<vmem>>
    %dma_wait3A_382 = tpu.memref_squeeze %dma_wait3A_381 : memref<1x80xi32, #tpu.memory_space<vmem>> -> memref<80xi32, #tpu.memory_space<vmem>>
    %dma_wait3A_383 = arith.constant 0 : i32
    %dma_wait3A_384 = arith.constant 0 : i32
    %dma_wait3A_385 = tpu.memref_slice %arg10[%dma_wait3A_383, %dma_wait3A_384] : memref<10240x128xf32, #tpu.memory_space<vmem_shared>> -> memref<10240x128xf32, #tpu.memory_space<vmem_shared>>
    tpu.wait_indirect_dma semaphore(%arg13 : memref<!tpu.dma_semaphore, #tpu.memory_space<semaphore_mem>>) src(%dma_wait3A_379 : memref<80x128xf32, #tpu.memory_space<vmem>>) dst(%dma_wait3A_385 : memref<10240x128xf32, #tpu.memory_space<vmem_shared>>)
    %dma_wait3A_386 = arith.constant 0 : i32
    %dma_wait3A_387 = arith.constant 0 : i32
    %dma_wait3A_388 = tpu.memref_slice %arg6[%dma_wait3A_386, %dma_wait3A_387] : memref<4x80xi32, #tpu.memory_space<vmem>> -> memref<1x80xi32, #tpu.memory_space<vmem>>
    %dma_wait3A_389 = tpu.memref_squeeze %dma_wait3A_388 : memref<1x80xi32, #tpu.memory_space<vmem>> -> memref<80xi32, #tpu.memory_space<vmem>>
    %dma_wait3A_390 = arith.constant 0 : i32
    %dma_wait3A_391 = arith.constant 0 : i32
    %dma_wait3A_392 = tpu.memref_slice %arg11[%dma_wait3A_390, %dma_wait3A_391] : memref<10240x16xf32, #tpu.memory_space<vmem_shared>> -> memref<10240x16xf32, #tpu.memory_space<vmem_shared>>
    tpu.wait_indirect_dma semaphore(%arg14 : memref<!tpu.dma_semaphore, #tpu.memory_space<semaphore_mem>>) src(%arg9 : memref<80x16xf32, #tpu.memory_space<vmem>>) dst(%dma_wait3A_392 : memref<10240x16xf32, #tpu.memory_space<vmem_shared>>)
    %dma_wait3A_393 = arith.constant 0 : i32
    %dma_wait3A_394 = arith.constant 0 : i32
    %dma_wait3A_395 = arith.constant 0 : i32
    %dma_wait3A_396 = arith.constant 0 : i32
    %dma_wait3A_397 = tpu.memref_slice %arg8[%dma_wait3A_393, %dma_wait3A_395, %dma_wait3A_396] : memref<3x80x128xf32, #tpu.memory_space<vmem>> -> memref<1x80x128xf32, #tpu.memory_space<vmem>>
    %dma_wait3A_398 = tpu.memref_squeeze %dma_wait3A_397 : memref<1x80x128xf32, #tpu.memory_space<vmem>> -> memref<80x128xf32, #tpu.memory_space<vmem>>
    %dma_wait3A_399 = arith.constant 0 : i32
    %dma_wait3A_400 = tpu.memref_slice %arg6[%dma_wait3A_394, %dma_wait3A_399] : memref<4x80xi32, #tpu.memory_space<vmem>> -> memref<1x80xi32, #tpu.memory_space<vmem>>
    %dma_wait3A_401 = tpu.memref_squeeze %dma_wait3A_400 : memref<1x80xi32, #tpu.memory_space<vmem>> -> memref<80xi32, #tpu.memory_space<vmem>>
    %dma_wait3A_402 = arith.constant 0 : i32
    %dma_wait3A_403 = arith.constant 0 : i32
    %dma_wait3A_404 = tpu.memref_slice %arg10[%dma_wait3A_402, %dma_wait3A_403] : memref<10240x128xf32, #tpu.memory_space<vmem_shared>> -> memref<10240x128xf32, #tpu.memory_space<vmem_shared>>
    tpu.wait_indirect_dma semaphore(%arg13 : memref<!tpu.dma_semaphore, #tpu.memory_space<semaphore_mem>>) src(%dma_wait3A_398 : memref<80x128xf32, #tpu.memory_space<vmem>>) dst(%dma_wait3A_404 : memref<10240x128xf32, #tpu.memory_space<vmem_shared>>)
    %dma_wait3A_405 = arith.constant 0 : i32
    %dma_wait3A_406 = arith.constant 0 : i32
    %dma_wait3A_407 = tpu.memref_slice %arg6[%dma_wait3A_405, %dma_wait3A_406] : memref<4x80xi32, #tpu.memory_space<vmem>> -> memref<1x80xi32, #tpu.memory_space<vmem>>
    %dma_wait3A_408 = tpu.memref_squeeze %dma_wait3A_407 : memref<1x80xi32, #tpu.memory_space<vmem>> -> memref<80xi32, #tpu.memory_space<vmem>>
    %dma_wait3A_409 = arith.constant 0 : i32
    %dma_wait3A_410 = arith.constant 0 : i32
    %dma_wait3A_411 = tpu.memref_slice %arg11[%dma_wait3A_409, %dma_wait3A_410] : memref<10240x16xf32, #tpu.memory_space<vmem_shared>> -> memref<10240x16xf32, #tpu.memory_space<vmem_shared>>
    tpu.wait_indirect_dma semaphore(%arg14 : memref<!tpu.dma_semaphore, #tpu.memory_space<semaphore_mem>>) src(%arg9 : memref<80x16xf32, #tpu.memory_space<vmem>>) dst(%dma_wait3A_411 : memref<10240x16xf32, #tpu.memory_space<vmem_shared>>)
    %barrier3A_412 = arith.constant 0 : index
    tpu.barrier barrier_id(%barrier3A_412)
    %mul3A_413 = arith.constant 10240 : i32
    %mul3A_414 = arith.muli %arg0, %mul3A_413 : i32
    %add3A_415 = arith.addi %mul3A_414, %multiple_of3A : i32
    %multiple_of3A_416 = tpu.assume_multiple %add3A_415, 8 : i32
    %dma_start3A_417 = arith.constant 0 : i32
    %dma_start3A_418 = tpu.memref_slice %arg4[%multiple_of3A_416, %dma_start3A_417] : memref<20480x128xf32, #tpu.memory_space<hbm>> -> memref<640x128xf32, #tpu.memory_space<hbm>>
    %dma_start3A_419 = arith.constant 0 : i32
    %dma_start3A_420 = tpu.memref_slice %arg10[%multiple_of3A, %dma_start3A_419] : memref<10240x128xf32, #tpu.memory_space<vmem_shared>> -> memref<640x128xf32, #tpu.memory_space<vmem_shared>>
    tpu.enqueue_dma source(%dma_start3A_420 : memref<640x128xf32, #tpu.memory_space<vmem_shared>>) target(%dma_start3A_418 : memref<640x128xf32, #tpu.memory_space<hbm>>) target_semaphore(%arg13 : memref<!tpu.dma_semaphore, #tpu.memory_space<semaphore_mem>>)
    %dma_start3A_421 = arith.constant 0 : i32
    %dma_start3A_422 = tpu.memref_slice %arg5[%multiple_of3A_416, %dma_start3A_421] : memref<20480x16xf32, #tpu.memory_space<hbm>> -> memref<640x16xf32, #tpu.memory_space<hbm>>
    %dma_start3A_423 = arith.constant 0 : i32
    %dma_start3A_424 = tpu.memref_slice %arg11[%multiple_of3A, %dma_start3A_423] : memref<10240x16xf32, #tpu.memory_space<vmem_shared>> -> memref<640x16xf32, #tpu.memory_space<vmem_shared>>
    tpu.enqueue_dma source(%dma_start3A_424 : memref<640x16xf32, #tpu.memory_space<vmem_shared>>) target(%dma_start3A_422 : memref<640x16xf32, #tpu.memory_space<hbm>>) target_semaphore(%arg14 : memref<!tpu.dma_semaphore, #tpu.memory_space<semaphore_mem>>)
    %dma_wait3A_425 = arith.constant 0 : i32
    %dma_wait3A_426 = tpu.memref_slice %arg4[%multiple_of3A_416, %dma_wait3A_425] : memref<20480x128xf32, #tpu.memory_space<hbm>> -> memref<640x128xf32, #tpu.memory_space<hbm>>
    %dma_wait3A_427 = arith.constant 0 : i32
    %dma_wait3A_428 = tpu.memref_slice %arg10[%multiple_of3A, %dma_wait3A_427] : memref<10240x128xf32, #tpu.memory_space<vmem_shared>> -> memref<640x128xf32, #tpu.memory_space<vmem_shared>>
    tpu.wait_dma2 semaphore(%arg13 : memref<!tpu.dma_semaphore, #tpu.memory_space<semaphore_mem>>) src(%dma_wait3A_428 : memref<640x128xf32, #tpu.memory_space<vmem_shared>>) dst(%dma_wait3A_426 : memref<640x128xf32, #tpu.memory_space<hbm>>)
    %dma_wait3A_429 = arith.constant 0 : i32
    %dma_wait3A_430 = tpu.memref_slice %arg5[%multiple_of3A_416, %dma_wait3A_429] : memref<20480x16xf32, #tpu.memory_space<hbm>> -> memref<640x16xf32, #tpu.memory_space<hbm>>
    %dma_wait3A_431 = arith.constant 0 : i32
    %dma_wait3A_432 = tpu.memref_slice %arg11[%multiple_of3A, %dma_wait3A_431] : memref<10240x16xf32, #tpu.memory_space<vmem_shared>> -> memref<640x16xf32, #tpu.memory_space<vmem_shared>>
    tpu.wait_dma2 semaphore(%arg14 : memref<!tpu.dma_semaphore, #tpu.memory_space<semaphore_mem>>) src(%dma_wait3A_432 : memref<640x16xf32, #tpu.memory_space<vmem_shared>>) dst(%dma_wait3A_430 : memref<640x16xf32, #tpu.memory_space<hbm>>)
    return
  }
}

module attributes {stable_mosaic.version = 14 : i64} {
  func.func @_tc_finalize(%arg0: i32, %arg1: memref<5120x128xf32, #tpu.memory_space<vmem>>, %arg2: memref<5120x128xf32, #tpu.memory_space<vmem>>, %arg3: memref<5120x16xf32, #tpu.memory_space<vmem>>, %arg4: memref<5120x16xf32, #tpu.memory_space<vmem>>, %arg5: memref<128x128xf32, #tpu.memory_space<vmem>>, %arg6: memref<1x128xf32, #tpu.memory_space<vmem>>, %arg7: memref<128x128xf32, #tpu.memory_space<vmem>>, %arg8: memref<5120x128xf32, #tpu.memory_space<vmem>>) attributes {dimension_semantics = [#tpu.dimension_semantics<arbitrary>], iteration_bounds = array<i64: 2>, scalar_prefetch = 0 : i64, scratch_operands = 0 : i64, tpu.core_type = #tpu.core_type<tc>, window_params = [{transform_indices = @transform_0, window_bounds = array<i64: 5120, 128>}, {transform_indices = @transform_1, window_bounds = array<i64: 5120, 128>}, {transform_indices = @transform_2, window_bounds = array<i64: 5120, 16>}, {transform_indices = @transform_3, window_bounds = array<i64: 5120, 16>}, {pipeline_mode = #tpu.pipeline_mode<synchronous>, transform_indices = @transform_4, window_bounds = array<i64: 128, 128>}, {pipeline_mode = #tpu.pipeline_mode<synchronous>, transform_indices = @transform_5, window_bounds = array<i64: 1, 128>}, {pipeline_mode = #tpu.pipeline_mode<synchronous>, transform_indices = @transform_6, window_bounds = array<i64: 128, 128>}, {transform_indices = @transform_7, window_bounds = array<i64: 5120, 128>}]} {
    %get3A = arith.constant 0 : index
    %get3A_0 = arith.constant 0 : index
    %get3A_1 = vector.load %arg1[%get3A, %get3A_0] : memref<5120x128xf32, #tpu.memory_space<vmem>>, vector<5120x128xf32>
    %get3A_2 = arith.constant 0 : index
    %get3A_3 = arith.constant 0 : index
    %get3A_4 = vector.load %arg2[%get3A_2, %get3A_3] : memref<5120x128xf32, #tpu.memory_space<vmem>>, vector<5120x128xf32>
    %add3A = arith.addf %get3A_1, %get3A_4 : vector<5120x128xf32>
    %get3A_5 = arith.constant 0 : index
    %get3A_6 = arith.constant 0 : index
    %get3A_7 = vector.load %arg3[%get3A_5, %get3A_6] : memref<5120x16xf32, #tpu.memory_space<vmem>>, vector<5120x1xf32>
    %get3A_8 = arith.constant 0 : index
    %get3A_9 = arith.constant 0 : index
    %get3A_10 = vector.load %arg4[%get3A_8, %get3A_9] : memref<5120x16xf32, #tpu.memory_space<vmem>>, vector<5120x1xf32>
    %add3A_11 = arith.addf %get3A_7, %get3A_10 : vector<5120x1xf32>
    %max3A = arith.constant 1.000000e+00 : f32
    %max3A_12 = vector.broadcast %max3A : f32 to vector<5120x1xf32>
    %max3A_13 = arith.maximumf %add3A_11, %max3A_12 : vector<5120x1xf32>
    %div3A = vector.broadcast %max3A_13 : vector<5120x1xf32> to vector<5120x128xf32>
    %div3A_14 = arith.divf %add3A, %div3A : vector<5120x128xf32>
    %get3A_15 = arith.constant 0 : index
    %get3A_16 = arith.constant 0 : index
    %get3A_17 = vector.load %arg5[%get3A_15, %get3A_16] : memref<128x128xf32, #tpu.memory_space<vmem>>, vector<128x128xf32>
    %dot_general3A = arith.constant dense<0.000000e+00> : vector<5120x128xf32>
    %dot_general3A_18 = tpu.matmul %div3A_14, %get3A_17, %dot_general3A {dimension_numbers = #tpu.dot_dimension_numbers<[1], [1], [0], [0], [0, 0, 1, 0], [], []>, transpose_lhs_hint = false} : vector<5120x128xf32>, vector<128x128xf32>, vector<5120x128xf32> -> vector<5120x128xf32>
    %get3A_19 = arith.constant 0 : index
    %get3A_20 = arith.constant 0 : index
    %get3A_21 = vector.load %arg6[%get3A_19, %get3A_20] : memref<1x128xf32, #tpu.memory_space<vmem>>, vector<1x128xf32>
    %add3A_22 = vector.broadcast %get3A_21 : vector<1x128xf32> to vector<5120x128xf32>
    %add3A_23 = arith.addf %dot_general3A_18, %add3A_22 : vector<5120x128xf32>
    %get3A_24 = arith.constant 0 : index
    %get3A_25 = arith.constant 0 : index
    %get3A_26 = vector.load %arg7[%get3A_24, %get3A_25] : memref<128x128xf32, #tpu.memory_space<vmem>>, vector<128x128xf32>
    %dot_general3A_27 = arith.constant dense<0.000000e+00> : vector<5120x128xf32>
    %dot_general3A_28 = tpu.matmul %add3A_23, %get3A_26, %dot_general3A_27 {dimension_numbers = #tpu.dot_dimension_numbers<[1], [0], [0], [1], [0, 0, 1, 1], [], []>, transpose_lhs_hint = false} : vector<5120x128xf32>, vector<128x128xf32>, vector<5120x128xf32> -> vector<5120x128xf32>
    %swap3A = arith.constant 0 : index
    %swap3A_29 = arith.constant 0 : index
    %swap3A_30 = vector.load %arg8[%swap3A, %swap3A_29] : memref<5120x128xf32, #tpu.memory_space<vmem>>, vector<5120x128xf32>
    tpu.vector_store %arg8[%swap3A, %swap3A_29], %dot_general3A_28 {strides = array<i32>} : memref<5120x128xf32, #tpu.memory_space<vmem>>, vector<5120x128xf32>,
    return
  }
  func.func @transform_0(%arg0: i32) -> (i32, i32) {
    %c0_i32 = arith.constant 0 : i32
    %c0_i32_0 = arith.constant 0 : i32
    return %arg0, %c0_i32 : i32, i32
  }
  func.func @transform_1(%arg0: i32) -> (i32, i32) {
    %add3A = arith.constant 2 : i32
    %add3A_0 = arith.addi %arg0, %add3A : i32
    %c0_i32 = arith.constant 0 : i32
    %c0_i32_1 = arith.constant 0 : i32
    return %add3A_0, %c0_i32 : i32, i32
  }
  func.func @transform_2(%arg0: i32) -> (i32, i32) {
    %c0_i32 = arith.constant 0 : i32
    %c0_i32_0 = arith.constant 0 : i32
    return %arg0, %c0_i32 : i32, i32
  }
  func.func @transform_3(%arg0: i32) -> (i32, i32) {
    %add3A = arith.constant 2 : i32
    %add3A_0 = arith.addi %arg0, %add3A : i32
    %c0_i32 = arith.constant 0 : i32
    %c0_i32_1 = arith.constant 0 : i32
    return %add3A_0, %c0_i32 : i32, i32
  }
  func.func @transform_4(%arg0: i32) -> (i32, i32) {
    %c0_i32 = arith.constant 0 : i32
    %c0_i32_0 = arith.constant 0 : i32
    %c0_i32_1 = arith.constant 0 : i32
    return %c0_i32, %c0_i32_0 : i32, i32
  }
  func.func @transform_5(%arg0: i32) -> (i32, i32) {
    %c0_i32 = arith.constant 0 : i32
    %c0_i32_0 = arith.constant 0 : i32
    %c0_i32_1 = arith.constant 0 : i32
    return %c0_i32, %c0_i32_0 : i32, i32
  }
  func.func @transform_6(%arg0: i32) -> (i32, i32) {
    %c0_i32 = arith.constant 0 : i32
    %c0_i32_0 = arith.constant 0 : i32
    %c0_i32_1 = arith.constant 0 : i32
    return %c0_i32, %c0_i32_0 : i32, i32
  }
  func.func @transform_7(%arg0: i32) -> (i32, i32) {
    %c0_i32 = arith.constant 0 : i32
    %c0_i32_0 = arith.constant 0 : i32
    return %arg0, %c0_i32 : i32, i32
  }
}

</mosaic_0001>

<sc_bundles>
// kernel: kernel.4.cloned.1.call-start
scs
__scs_entry_jumppad:
0x0: {  	(pc) =	sbr.rel $0x88, $3  }
0x1: {  	(tag) =	ssettag $0x0;
	lr =	simm.s32 $0x1  }
0x2: {  	[smem:$0x3F9C] =	sst lr;
	_ =	strace $0xD0000000  }
0x3: {  	_ = 	snop  }
0x4: {  	_ = 	snop  }
0x5: {  	_ = 	snop  }
0x6: {  	_ = 	snop  }
0x7: {  	_ = 	snop  }
__scs_overlays_trampoline_lowered:
0x8: {  	[smem:$0x3FAB] =	sst s0  }
0x9: {  	[smem:$0x3FAC] =	sst s1  }
0xa: {  	[smem:$0x3FAD] =	sst s2  }
0xb: {  	[smem:$0x3FAE] =	sst s3  }
0xc: {  	[smem:$0x3FAF] =	sst s4  }
0xd: {  	[smem:$0x3FB0] =	sst s5  }
0xe: {  	[smem:$0x3FB1] =	sst s6  }
0xf: {  	[smem:$0x3FB2] =	sst s7  }
0x10: {  	[smem:$0x3FB3] =	sst s8  }
0x11: {  	[smem:$0x3FB4] =	sst s9;
	s0 =	simm.s32 @!p0 $0x0  }
0x12: {  	s1 =	sld [smem:$0x3F9A];
	s0 =	simm.s32 @p0 $0x1  }
0x13: {  	[smem:$0x3FB5] =	sst s0;
	s0 =	simm.s32 @!p1 $0x0  }
0x14: {  	s2 =	sld [smem:$0x3F99];
	s0 =	simm.s32 @p1 $0x1  }
0x15: {  	[smem:$0x3FB6] =	sst s0;
	s0 =	simm.s32 @!p2 $0x0  }
0x16: {  	s3 =	sld [smem:$0x3FDB];
	s0 =	simm.s32 @p2 $0x1  }
0x17: {  	s4 =	simm.s32 $0x1BF5;
	[smem:$0x3FB8] =	sst s0  }
0x18: {  	s0 =	sld [smem:$0x3F9B];
	_ =	swait.ge [sflag:s4], $0x0  }
0x19: {  	s7 =	sld [smem:$0x3F9C]  }
0x1a: {  	s8 =	sadd.s32 $0xFFFFE003, lr  }
0x1b: {  	s9 =	sadd.s32 $0xFFFFFEF7, lr;
	s5 =	simm.s32 $0xFFFFFFFF;
	p2 =	slt.u32 s8, $0xFFFFF086  }
0x1c: {  	p1 =	slt.u32 s9, $0xF7A;
	s5 =	simm.s32 @!p2 $0x0  }
0x1d: {  	s5 =	simm.s32 @p1 $0x1;
	p0 =	seq.s32 s7, s2  }
0x1e: {  	s7 =	smul.u32 @!p0 $0xF7A, s2;
	p2 =	seq.s32 @!p0 s5, $0x0  }
0x1f: {  	s9 =	smul.u32 $0xF7A, s1;
	s8 =	simm.s32 @!p0 $0x1BF5;
	p2 =	por !p2, p0  }
0x20: {  	[sflag:s8] =	ssyncset.s32 @!p0 $0xFFFFF086;
	s6 =	sadd.s32 @!p0 s3, s7;
	s7 =	simm.s32 @!p0 $0x108  }
0x21: {  	s3 =	sadd.s32 s3, s9;
	s6 =	sadd.s32 @!p0 $0x88, s6;
	s7 =	simm.s32 @p2 $0x1082  }
0x22: {  	[simem:s7], [sflag:s8] =	dma.local @!p0 [hbm:s6], $0xF7A  }
0x23: {  	s9 =	sor.u32 $0xD0000000, s2;
	s6 =	simm.s32 $0x108;
	_ =	swait.ge @!p0 [sflag:s8], $0x0  }
0x24: {  	s3 =	sadd.s32 $0x88, s3;
	s6 =	simm.s32 @!p1 $0x1082;
	[sflag:s4] =	ssyncset.s32 $0xFFFFF086  }
0x25: {  	[simem:s6], [sflag:s4] =	dma.local [hbm:s3], $0xF7A  }
0x26: {  	[smem:$0x3F9C] =	sst s1;
	(tag) =	ssettag s2;
	_ =	strace s9  }
0x27: {  	s1 =	sld [smem:$0x3FAC]  }
0x28: {  	s2 =	sld [smem:$0x3FAD]  }
0x29: {  	s4 =	sld [smem:$0x3FAF]  }
0x2a: {  	p0 =	seq.s32 s5, $0x0;
	s5 =	sld [smem:$0x3FB0]  }
0x2b: {  	s6 =	sld [smem:$0x3FB1]  }
0x2c: {  	s7 =	sld [smem:$0x3FB2]  }
0x2d: {  	s3 =	simm.s32 $0x108;
	s8 =	sld [smem:$0x3FB3]  }
0x2e: {  	s3 =	simm.s32 @!p0 $0x1082;
	s9 =	sld [smem:$0x3FB4]  }
0x2f: {  	lr =	sadd.s32 s0, s3;
	s0 =	sld [smem:$0x3FAB]  }
0x30: {  	s3 =	sld [smem:$0x3FAE]  }
0x31: {  	[smem:$0x3FB7] =	sst s10  }
0x32: {  	s10 =	sld [smem:$0x3FB5];
	_ =	sdelay $0x3  }
0x33: {  	p0 =	seq.s32 s10, $0x1;
	s10 =	sld [smem:$0x3FB7];
	_ =	sdelay $0x3  }
0x34: {  	[smem:$0x3FB7] =	sst s10  }
0x35: {  	s10 =	sld [smem:$0x3FB6];
	_ =	sdelay $0x3  }
0x36: {  	p1 =	seq.s32 s10, $0x1;
	s10 =	sld [smem:$0x3FB7];
	_ =	sdelay $0x3  }
0x37: {  	[smem:$0x3FB7] =	sst s10  }
0x38: {  	s10 =	sld [smem:$0x3FB8]  }
0x39: {  	_ = 	snop;
	(pc) =	sbr.ind lr, $3  }
0x3a: {  	_ = 	snop  }
0x3b: {  	_ = 	snop  }
0x3c: {  	p2 =	seq.s32 s10, $0x1;
	s10 =	sld [smem:$0x3FB7]  }
0x3d: {  	_ =	shalt  }
0x3e: {  	_ =	shalt  }
0x3f: {  	_ =	shalt  }
0x40: {  	_ =	shalt  }
0x41: {  	_ =	shalt  }
0x42: {  	_ =	shalt  }
0x43: {  	_ =	shalt  }
0x44: {  	_ =	shalt  }
0x45: {  	_ =	shalt  }
0x46: {  	_ =	shalt  }
0x47: {  	_ =	shalt  }
0x48: {  	_ =	shalt  }
0x49: {  	_ =	shalt  }
0x4a: {  	_ =	shalt  }
0x4b: {  	_ =	shalt  }
0x4c: {  	_ =	shalt  }
0x4d: {  	_ =	shalt  }
0x4e: {  	_ =	shalt  }
0x4f: {  	_ =	shalt  }
0x50: {  	_ =	shalt  }
0x51: {  	_ =	shalt  }
0x52: {  	_ =	shalt  }
0x53: {  	_ =	shalt  }
0x54: {  	_ =	shalt  }
0x55: {  	_ =	shalt  }
0x56: {  	_ =	shalt  }
0x57: {  	_ =	shalt  }
0x58: {  	_ =	shalt  }
0x59: {  	_ =	shalt  }
0x5a: {  	_ =	shalt  }
0x5b: {  	_ =	shalt  }
0x5c: {  	_ =	shalt  }
0x5d: {  	_ =	shalt  }
0x5e: {  	_ =	shalt  }
0x5f: {  	_ =	shalt  }
0x60: {  	_ =	shalt  }
0x61: {  	_ =	shalt  }
0x62: {  	_ =	shalt  }
0x63: {  	_ =	shalt  }
0x64: {  	_ =	shalt  }
0x65: {  	_ =	shalt  }
0x66: {  	_ =	shalt  }
0x67: {  	_ =	shalt  }
0x68: {  	_ =	shalt  }
0x69: {  	_ =	shalt  }
0x6a: {  	_ =	shalt  }
0x6b: {  	_ =	shalt  }
0x6c: {  	_ =	shalt  }
0x6d: {  	_ =	shalt  }
0x6e: {  	_ =	shalt  }
0x6f: {  	_ =	shalt  }
0x70: {  	_ =	shalt  }
0x71: {  	_ =	shalt  }
0x72: {  	_ =	shalt  }
0x73: {  	_ =	shalt  }
0x74: {  	_ =	shalt  }
0x75: {  	_ =	shalt  }
0x76: {  	_ =	shalt  }
0x77: {  	_ =	shalt  }
0x78: {  	_ =	shalt  }
0x79: {  	_ =	shalt  }
0x7a: {  	_ =	shalt  }
0x7b: {  	_ =	shalt  }
0x7c: {  	_ =	shalt  }
0x7d: {  	_ =	shalt  }
0x7e: {  	_ =	shalt  }
0x7f: {  	_ =	shalt  }
0x80: {  	_ =	shalt  }
0x81: {  	_ =	shalt  }
0x82: {  	_ =	shalt  }
0x83: {  	_ =	shalt  }
0x84: {  	_ =	shalt  }
0x85: {  	_ =	shalt  }
0x86: {  	_ =	shalt  }
0x87: {  	_ =	shalt  }
.Lfunc_end0:
.L_simem_size_0:
called_computation_lowered:
.L_overlay_start_0:
0x88: {  	s2 =	sld [smem:$0x3FD9]  }
0x89: {  	s3 =	sld [smem:$0x3FFE];
	_ =	sdelay $0x1  }
0x8a: {  	s1 =	srdreg.scid  }
0x8b: {  	s0 =	sand.u32 $0x1, s1  }
0x8c: {  	s17 =	sshll.u32 s0, $0xA;
	s2 =	sadd.s32 s3, s2  }
0x8d: {  	s2 =	sadd.s32 s2, s17  }
0x8e: {  	[smem:$0x3FC3] =	sst s2  }
0x8f: {  	_ = 	snop  }
0x90: {  	s2 =	sld [smem:$0x3FC9]  }
0x91: {  	s18 =	sld [smem:$0x3FD0];
	(tm) =	ssettm $0x1  }
0x92: {  	s4 =	sld [smem:$0x3FFB];
	_ =	sdelay $0x3  }
0x93: {  	_ =	strace s4  }
0x94: {  	s4 =	sld [smem:$0x3FFC];
	_ =	sdelay $0x3  }
0x95: {  	_ =	strace s4  }
0x96: {  	s4 =	sld [smem:$0x3FFD];
	_ =	sdelay $0x3  }
0x97: {  	_ =	strace s4  }
0x98: {  	_ =	strace $0x8FFFFFFF  }
0x99: {  	s19 =	sld [smem:$0x3FDB];
	_ =	sdelay $0x1  }
0x9a: {  	s5 =	simm.s32 $_scs_section_size  }
0x9b: {  	s6 =	simm.s32 $_size__tile_overlayer_lowered;
	s7 =	simm.s32 $_tile_overlayer_lowered  }
0x9c: {  	s22 =	simm.s32 $0x1BFF;
	s21 =	sshll.u32 s7, $0x1;
	s4 =	sadd.s32 s5, s19  }
0x9d: {  	s8 =	simm.s32 $0x0;
	s20 =	sshll.u32 s6, $0x1;
	s6 =	sadd.s32 s21, s4  }
0x9e: {  	[timem:s8], [sflag:s22] =	dma.local [hbm:s6], s20  }
0x9f: {  	_ =	swait.ge [sflag:s22], s20  }
0xa0: {  	s5 =	ssub.s32 $0x0, s20;
	[sflag:s22] =	ssyncset.done $0x0  }
0xa1: {  	[sflag:s22] =	ssyncadd.s32 s5;
	_ =	sdelay $0x1  }
0xa2: {  	s23 =	simm.s32 $0x1B8B  }
0xa3: {  	_ =	swait.ge [sflag:s23], $0x1  }
0xa4: {  	[sflag:s23] =	ssyncset.done $0x0  }
0xa5: {  	s25 =	simm.s32 $0x1B8E;
	s24 =	sld [smem:$0x3FFE];
	[sflag:s23] =	ssyncadd.s32 $0xFFFFFFFF  }
0xa6: {  	s26 =	simm.s32 $execute0_lowered;
	[smem:$0x3FD2] =	sst s25  }
0xa7: {  	s6 =	sshll.u32 s26, $0x1;
	_ =	strace $0x80000046;
	[dreg:$0x1] =	wrdreg $0xFFFFFFFF  }
0xa8: {  	s28 =	simm.s32 $_size_execute0_lowered;
	s4 =	sadd.s32 s4, s6;
	[dreg:$0x0] =	wrdreg $0x0  }
0xa9: {  	s6 =	sshll.u32 s28, $0x1;
	[dreg:$0x2] =	wrdreg s4  }
0xaa: {  	[dreg:$0x3] =	wrdreg s6  }
0xab: {  	[dreg:$0x4] =	wrdreg $0xC0  }
0xac: {  	_ =	task [dreg:s8], $0x5FFFF  }
0xad: {  	[dreg:$0x1] =	wrdreg $0xFFFFFFFF  }
0xae: {  	[dreg:$0x0] =	wrdreg $0x60  }
0xaf: {  	[dreg:$0x2] =	wrdreg s2  }
0xb0: {  	[dreg:$0x3] =	wrdreg s18  }
0xb1: {  	[dreg:$0x4] =	wrdreg s24  }
0xb2: {  	[dreg:$0x5] =	wrdreg $0x95B00  }
0xb3: {  	[dreg:$0x6] =	wrdreg $0x1D5B00  }
0xb4: {  	[dreg:$0x7] =	wrdreg $0x9  }
0xb5: {  	_ =	task.clear_ibuf [dreg:s8], $0x8FFFF;
	_ =	strace $0x90000046  }
0xb6: {  	s29 =	simm.s32 $0x9;
	_ =	strace $0x80000048  }
0xb7: {  	_ =	swait.ge [sflag:s29], $0x1  }
0xb8: {  	[sflag:s29] =	ssyncadd.s32 $0xFFFFFFFF  }
0xb9: {  	_ =	strace $0x90000048  }
0xba: {  	_ =	sfence  }
0xbb: {  	s30 =	sld [smem:$0x0];
	_ =	sdelay $0x2  }
0xbc: {  	s31 =	sshll.u32 s1, $0xD;
	s1 =	sshrl.u32 s1, $0x2  }
0xbd: {  	s3 =	sand.u32 $0x4000, s31;
	s1 =	sadd.s32 s1, s30  }
0xbe: {  	s0 =	sor.u32 s3, s0;
	s1 =	sshll.u32 s1, $0x11  }
0xbf: {  	s0 =	sor.u32 s1, s0  }
0xc0: {  	s0 =	sadd.s32 $0x8F2B, s0  }
0xc1: {  	[sflag:s0] =	ssyncadd.remote.s32 $0x1  }
0xc2: {  	_ =	sfence.sel $0xFFFF  }
0xc3: {  	[dreg:$0x0] =	wrdreg $0xFFFFFFFF;
	(pc) =	sbr.abs _section_cstart, $3  }
0xc4: {  	[dreg:$0x1] =	wrdreg $0xFFFFFFFF  }
0xc5: {  	_ =	task.clear_ibuf [dreg:s8], $0x2FFFF;
	_ =	strace $0x9FFFFFFF  }
0xc6: {  	(tm) =	ssettm $0x7FFFFFFF  }
0xc7: {  	_ =	shalt  }
tec
execute0_lowered:
.L_overlay_start_1:
0x0: {  	(tag) =	ssettag $0x1  }
0x1: {  	s1 =	rddreg [dreg:$0x0]  }
0x2: {  	s2 =	rddreg [dreg:$0x1]  }
0x3: {  	s0 =	rddreg [dreg:$0x2];
	s3 =	srdreg.scid  }
0x4: {  	s13 =	stileid.u32;
	s4 =	rddreg [dreg:$0x3]  }
0x5: {  	s5 =	rddreg [dreg:$0x4];
	s8 =	smul.u32 $0x280, s13  }
0x6: {  	s6 =	simm.s32 $0x0;
	s3 =	sand.u32 $0x1, s3;
	s20 =	smul.u32 $0x50000, s13  }
0x7: {  	[smem:$0x7FF] =	sst s6;
	s9 =	sshll.u32 s13, $0x1;
	s13 =	smul.u32 $0xA000, s13  }
0x8: {  	s7 =	smul.u32 $0x2800, s3;
	s9 =	sor.u32 s3, s9;
	s3 =	ssub.s32 $0x2, s3  }
0x9: {  	_ =	strace $0x80000047;
	s21 =	sshrl.u32 s3, $0x1;
	s22 =	sshrl.u32 s13, $0x2  }
0xa: {  	s23 =	sor.u32 $0x50, s8;
	s25 =	sadd.s32 $0xA0, s8;
	s14 =	sadd.s32 $0xF0, s8  }
0xb: {  	s18 =	sadd.s32 $0x140, s8;
	s7 =	sadd.s32 s8, s7;
	s3 =	ssub.s32 s3, s21  }
0xc: {  	s24 =	sshll.u32 s23, $0x7;
	s26 =	sshll.u32 s25, $0x7;
	s16 =	sshll.u32 s14, $0x7  }
0xd: {  	s17 =	sshll.u32 s14, $0x4;
	s21 =	sadd.s32 $0x190, s8;
	s14 =	simm.s32 $0x3  }
0xe: {  	s10 =	sshll.u32 s7, $0x4;
	s19 =	sshll.u32 s7, $0x1;
	s7 =	smul.u32 $0x2710, s9  }
0xf: {  	s9 =	sshrl.u32 s20, $0x2;
	s13 =	sadd.s32 s24, s4;
	s28 =	smax.u32 s3, $0x1  }
0x10: {  	s3 =	simm.s32 $0x140;
	s11 =	sadd.s32 s10, s0;
	s0 =	sadd.s32 s19, s0  }
0x11: {  	s9 =	sadd.s32 s9, s4;
	s10 =	sadd.s32 s22, s5;
	[dreg:$0x6] =	wrdreg s13  }
0x12: {  	s13 =	sadd.s32 s26, s4;
	s19 =	sshll.u32 s18, $0x7;
	s22 =	sshll.u32 s21, $0x7  }
0x13: {  	s12 =	sshrl.u32 s7, $0x3;
	[dreg:$0x8] =	wrdreg s13;
	s13 =	sshll.u32 s18, $0x4  }
0x14: {  	s18 =	simm.s32 $0x0;
	s15 =	sadd.s32 s2, s12;
	s12 =	sshll.u32 s23, $0x4  }
0x15: {  	s20 =	sadd.s32 s13, s5;
	s23 =	sadd.s32 $0x1E0, s8;
	s13 =	sadd.s32 s22, s4  }
0x16: {  	s8 =	sadd.s32 $0x230, s8;
	s12 =	sadd.s32 s12, s5;
	[dreg:$0xd] =	wrdreg s20  }
0x17: {  	[dreg:$0xe] =	wrdreg s13;
	s24 =	sshll.u32 s23, $0x7;
	s26 =	sshll.u32 s8, $0x7  }
0x18: {  	s8 =	sshll.u32 s8, $0x4;
	[dreg:$0x7] =	wrdreg s12;
	s12 =	sshll.u32 s25, $0x4  }
0x19: {  	s29 =	sadd.s32 $0x9C40, s15;
	s30 =	sadd.s32 $0xA, s15;
	s12 =	sadd.s32 s12, s5  }
0x1a: {  	s31 =	sadd.s32 $0x9F2E, s15;
	[dreg:$0x9] =	wrdreg s12;
	s12 =	sadd.s32 s16, s4  }
0x1b: {  	s13 =	simm.s32 $0x2;
	[dreg:$0xa] =	wrdreg s12;
	s12 =	sadd.s32 s17, s5  }
0x1c: {  	s25 =	sshll.u32 s23, $0x4;
	[dreg:$0xb] =	wrdreg s12;
	s12 =	sadd.s32 s19, s4  }
0x1d: {  	s8 =	sadd.s32 s8, s5;
	[dreg:$0xc] =	wrdreg s12;
	s12 =	sshll.u32 s21, $0x4  }
0x1e: {  	[dreg:$0x13] =	wrdreg s8;
	s16 =	simm.s32 $0x1;
	s12 =	sadd.s32 s12, s5  }
0x1f: {  	s17 =	simm.s32 $0x4;
	[dreg:$0xf] =	wrdreg s12;
	s12 =	sadd.s32 s24, s4  }
0x20: {  	s24 =	smov.u32 s15;
	s15 =	simm.s32 $0x5;
	[dreg:$0x10] =	wrdreg s12  }
0x21: {  	s12 =	sadd.s32 s25, s5;
	s25 =	sadd.s32 $0xB000, s11;
	s11 =	simm.s32 $0x18B0  }
0x22: {  	[dreg:$0x11] =	wrdreg s12;
	s12 =	sadd.s32 s26, s4;
	s26 =	sadd.s32 $0x1000, s0  }
0x23: {  	v0 =	vimm.f32 $0.0e+00;
	v1 =	vimm.f32 $1.000000000e+00;
	s0 =	simm.s32 $0x50;
	[dreg:$0x12] =	wrdreg s12;
	s12 =	simm.s32 $0x90B0  }
.LBB2_1:
0x24: {  	[tilespmem:s3], [sflag:$0x5] =	stream.linear.gather [hbm4b:s29+s6], $0x1770, $0x38;
	[tilespmem:$0x1FDB0] =	vst v63  }
0x25: {  	_ = 	snop  }
0x26: {  	[tilespmem:s6], [sflag:$0x4] =	stream.linear.gather [hbm4b:s24+s6], $0x50, $0x38;
	[tilespmem:$0x1FDB0] =	vst v63  }
0x27: {  	s8 =	simm.s32 $0x18F0  }
0x28: {  	[tilespmem:s0], [sflag:$0x4] =	stream.linear.gather [hbm4b:s30+s6], $0x50, $0x38;
	[tilespmem:$0x1FDB0] =	vst v63  }
0x29: {  	[tilespmem:s8+$0xFFFFFFD0] =	vst v0  }
0x2a: {  	[tilespmem:s8+$0xFFFFFFE0] =	vst v0  }
0x2b: {  	[tilespmem:s8+$0xFFFFFFF0] =	vst v0  }
0x2c: {  	[tilespmem:s8+$0x0] =	vst v0  }
0x2d: {  	[tilespmem:s8+$0x10] =	vst v0  }
0x2e: {  	[tilespmem:s8+$0x20] =	vst v0  }
0x2f: {  	[tilespmem:s8+$0x30] =	vst v0  }
0x30: {  	s20 =	simm.s32 $0x0;
	s19 =	simm.s32 $0x40;
	[tilespmem:s8+$0xFFFFFFC0] =	vst v0  }
.LBB2_2:
0x31: {  	p0 =	sne.s32 s19, $0x13C0;
	[tilespmem:s20+$0x90B0] =	vst v0;
	s8 =	sadd.s32 $0x80, s8  }
0x32: {  	[tilespmem:s8+$0xFFFFFFD0] =	vst v0  }
0x33: {  	[tilespmem:s8+$0xFFFFFFE0] =	vst v0  }
0x34: {  	[tilespmem:s8+$0xFFFFFFF0] =	vst v0  }
.Ltmp0:
0x35: {  	[tilespmem:s8+$0x0] =	vst v0;
	(pc) =	sbr.rel @p0 .LBB2_2-.Ltmp0, $4  }
0x36: {  	[tilespmem:s8+$0x10] =	vst v0  }
0x37: {  	[tilespmem:s8+$0x20] =	vst v0  }
0x38: {  	[tilespmem:s8+$0x30] =	vst v0  }
0x39: {  	s20 =	sshra.s32 s19, $0x2;
	s19 =	sadd.s32 $0x40, s19;
	[tilespmem:s8+$0xFFFFFFC0] =	vst v0  }
0x3a: {  	[tilespmem:s20+$0x90B0] =	vst v0  }
0x3b: {  	[spmem:s9] =	stream.linear.scatter [tilespmem:s11], [sflag:$0x2], $0x2800, $0x38;
	[tilespmem:$0x1FDB0] =	vst v63  }
0x3c: {  	_ = 	snop  }
0x3d: {  	[spmem:s10] =	stream.linear.scatter [tilespmem:s12], [sflag:$0x3], $0x500, $0x38;
	[tilespmem:$0x1FDB0] =	vst v63  }
0x3e: {  	s8 =	rddreg [dreg:$0x6]  }
0x3f: {  	[spmem:s8] =	stream.linear.scatter [tilespmem:s11], [sflag:$0x2], $0x2800, $0x38;
	[tilespmem:$0x1FDB0] =	vst v63  }
0x40: {  	s21 =	rddreg [dreg:$0x7]  }
0x41: {  	[spmem:s21] =	stream.linear.scatter [tilespmem:s12], [sflag:$0x3], $0x500, $0x38;
	[tilespmem:$0x1FDB0] =	vst v63  }
0x42: {  	s22 =	rddreg [dreg:$0x8]  }
0x43: {  	[spmem:s22] =	stream.linear.scatter [tilespmem:s11], [sflag:$0x2], $0x2800, $0x38;
	[tilespmem:$0x1FDB0] =	vst v63  }
0x44: {  	s23 =	rddreg [dreg:$0x9]  }
0x45: {  	[spmem:s23] =	stream.linear.scatter [tilespmem:s12], [sflag:$0x3], $0x500, $0x38;
	[tilespmem:$0x1FDB0] =	vst v63  }
0x46: {  	s19 =	rddreg [dreg:$0xa]  }
0x47: {  	[spmem:s19] =	stream.linear.scatter [tilespmem:s11], [sflag:$0x2], $0x2800, $0x38;
	[tilespmem:$0x1FDB0] =	vst v63  }
0x48: {  	s20 =	rddreg [dreg:$0xb]  }
0x49: {  	[spmem:s20] =	stream.linear.scatter [tilespmem:s12], [sflag:$0x3], $0x500, $0x38;
	[tilespmem:$0x1FDB0] =	vst v63  }
0x4a: {  	s21 =	rddreg [dreg:$0xc]  }
0x4b: {  	[spmem:s21] =	stream.linear.scatter [tilespmem:s11], [sflag:$0x2], $0x2800, $0x38;
	[tilespmem:$0x1FDB0] =	vst v63  }
0x4c: {  	s22 =	rddreg [dreg:$0xd]  }
0x4d: {  	[spmem:s22] =	stream.linear.scatter [tilespmem:s12], [sflag:$0x3], $0x500, $0x38;
	[tilespmem:$0x1FDB0] =	vst v63  }
0x4e: {  	s23 =	rddreg [dreg:$0xe]  }
0x4f: {  	[spmem:s23] =	stream.linear.scatter [tilespmem:s11], [sflag:$0x2], $0x2800, $0x38;
	[tilespmem:$0x1FDB0] =	vst v63  }
0x50: {  	s19 =	rddreg [dreg:$0xf]  }
0x51: {  	[spmem:s19] =	stream.linear.scatter [tilespmem:s12], [sflag:$0x3], $0x500, $0x38;
	[tilespmem:$0x1FDB0] =	vst v63  }
0x52: {  	s20 =	rddreg [dreg:$0x10]  }
0x53: {  	[spmem:s20] =	stream.linear.scatter [tilespmem:s11], [sflag:$0x2], $0x2800, $0x38;
	[tilespmem:$0x1FDB0] =	vst v63  }
0x54: {  	s21 =	rddreg [dreg:$0x11]  }
0x55: {  	[spmem:s21] =	stream.linear.scatter [tilespmem:s12], [sflag:$0x3], $0x500, $0x38;
	[tilespmem:$0x1FDB0] =	vst v63  }
0x56: {  	s22 =	rddreg [dreg:$0x12]  }
0x57: {  	[spmem:s22] =	stream.linear.scatter [tilespmem:s11], [sflag:$0x2], $0x2800, $0x38;
	[tilespmem:$0x1FDB0] =	vst v63  }
0x58: {  	s23 =	rddreg [dreg:$0x13]  }
0x59: {  	[spmem:s23] =	stream.linear.scatter [tilespmem:s12], [sflag:$0x3], $0x500, $0x38;
	[tilespmem:$0x1FDB0] =	vst v63  }
0x5a: {  	_ =	swait.ge [sflag:s13], $0x2800  }
0x5b: {  	[sflag:s13] =	ssyncset.done $0x0  }
0x5c: {  	[sflag:s13] =	ssyncadd.s32 $0xFFFFD800  }
0x5d: {  	_ =	swait.ge [sflag:s14], $0x500  }
0x5e: {  	[sflag:s14] =	ssyncset.done $0x0  }
0x5f: {  	[sflag:s14] =	ssyncadd.s32 $0xFFFFFB00  }
0x60: {  	_ =	swait.ge [sflag:s13], $0x2800  }
0x61: {  	[sflag:s13] =	ssyncset.done $0x0  }
0x62: {  	[sflag:s13] =	ssyncadd.s32 $0xFFFFD800  }
0x63: {  	_ =	swait.ge [sflag:s14], $0x500  }
0x64: {  	[sflag:s14] =	ssyncset.done $0x0  }
0x65: {  	[sflag:s14] =	ssyncadd.s32 $0xFFFFFB00  }
0x66: {  	_ =	swait.ge [sflag:s13], $0x2800  }
0x67: {  	[sflag:s13] =	ssyncset.done $0x0  }
0x68: {  	[sflag:s13] =	ssyncadd.s32 $0xFFFFD800  }
0x69: {  	_ =	swait.ge [sflag:s14], $0x500  }
0x6a: {  	[sflag:s14] =	ssyncset.done $0x0  }
0x6b: {  	[sflag:s14] =	ssyncadd.s32 $0xFFFFFB00  }
0x6c: {  	_ =	swait.ge [sflag:s13], $0x2800  }
0x6d: {  	[sflag:s13] =	ssyncset.done $0x0  }
0x6e: {  	[sflag:s13] =	ssyncadd.s32 $0xFFFFD800  }
0x6f: {  	_ =	swait.ge [sflag:s14], $0x500  }
0x70: {  	[sflag:s14] =	ssyncset.done $0x0  }
0x71: {  	[sflag:s14] =	ssyncadd.s32 $0xFFFFFB00  }
0x72: {  	_ =	swait.ge [sflag:s13], $0x2800  }
0x73: {  	[sflag:s13] =	ssyncset.done $0x0  }
0x74: {  	[sflag:s13] =	ssyncadd.s32 $0xFFFFD800  }
0x75: {  	_ =	swait.ge [sflag:s14], $0x500  }
0x76: {  	[sflag:s14] =	ssyncset.done $0x0  }
0x77: {  	[sflag:s14] =	ssyncadd.s32 $0xFFFFFB00  }
0x78: {  	_ =	swait.ge [sflag:s13], $0x2800  }
0x79: {  	[sflag:s13] =	ssyncset.done $0x0  }
0x7a: {  	[sflag:s13] =	ssyncadd.s32 $0xFFFFD800  }
0x7b: {  	_ =	swait.ge [sflag:s14], $0x500  }
0x7c: {  	[sflag:s14] =	ssyncset.done $0x0  }
0x7d: {  	[sflag:s14] =	ssyncadd.s32 $0xFFFFFB00  }
0x7e: {  	_ =	swait.ge [sflag:s13], $0x2800  }
0x7f: {  	[sflag:s13] =	ssyncset.done $0x0  }
0x80: {  	[sflag:s13] =	ssyncadd.s32 $0xFFFFD800  }
0x81: {  	_ =	swait.ge [sflag:s14], $0x500  }
0x82: {  	[sflag:s14] =	ssyncset.done $0x0  }
0x83: {  	[sflag:s14] =	ssyncadd.s32 $0xFFFFFB00  }
0x84: {  	_ =	swait.ge [sflag:s13], $0x2800  }
0x85: {  	[sflag:s13] =	ssyncset.done $0x0  }
0x86: {  	[sflag:s13] =	ssyncadd.s32 $0xFFFFD800  }
0x87: {  	_ =	swait.ge [sflag:s14], $0x500  }
0x88: {  	[sflag:s14] =	ssyncset.done $0x0  }
0x89: {  	s8 =	simm.s32 $0x40;
	s19 =	simm.s32 $0x0;
	[sflag:s14] =	ssyncadd.s32 $0xFFFFFB00  }
.LBB2_4:
0x8a: {  	p0 =	sne.s32 s8, $0x13C0;
	[tilespmem:s19+$0x90B0] =	vst v1;
	s19 =	smov.u32 s8;
	s8 =	sadd.s32 $0x40, s8  }
.Ltmp1:
0x8b: {  	(pc) =	sbr.rel @p0 .LBB2_4-.Ltmp1, $2  }
0x8c: {  	_ =	sdelay $0x2  }
0x8d: {  	s19 =	sshra.s32 s19, $0x2  }
0x8e: {  	[tilespmem:s19+$0x90B0] =	vst v1  }
0x8f: {  	_ =	swait.ge [sflag:s15], $0x1770  }
0x90: {  	[sflag:s15] =	ssyncset.done $0x0  }
0x91: {  	[sflag:s15] =	ssyncadd.s32 $0xFFFFE890  }
0x92: {  	[tilespmem:s11], [sflag:$0x1] =	stream.indirect.gather [hbm4b:s1+s0], $0x80, s3, s0, $0xb8;
	[tilespmem:$0x1FDB0] =	vst v63  }
0x93: {  	s8 =	simm.s32 $0x0;
	[bflag:$0x0] =	sbarrier.arrive $0xFFFF  }
.LBB2_6:
0x94: {  	p1 =	slt.u32 s8, $0x2  }
0x95: {  	s19 =	smov.u32 s8;
	s8 =	simm.s32 @!p1 $0x2  }
0x96: {  	_ =	swait.ge @!p1 [sflag:s8], $0x2800  }
0x97: {  	[sflag:s8] =	ssyncset.done @!p1 $0x0  }
0x98: {  	[sflag:s8] =	ssyncadd.s32 @!p1 $0xFFFFD800;
	s8 =	simm.s32 @!p1 $0x3  }
0x99: {  	p0 =	seq.s32 s19, $0x7C;
	_ =	swait.ge @!p1 [sflag:s8], $0x500  }
0x9a: {  	p2 =	seq.s32 @!p0 s19, $0x4A;
	[sflag:s8] =	ssyncset.done @!p1 $0x0  }
0x9b: {  	[sflag:s8] =	ssyncadd.s32 @!p1 $0xFFFFFB00;
	p1 =	por !p2, p0;
	s8 =	sadd.s32 @!p0 $0x1, s19  }
0x9c: {  	p3 =	por p2, p0;
	s20 =	simm.s32 @!p1 $0x5;
	s21 =	smul.u32 @!p0 $0xAB, s8  }
0x9d: {  	p3 =	sne.s32 @!p3 s19, $0x32;
	_ =	swait.ge @!p1 [sflag:s20], $0xFA0  }
0x9e: {  	p2 =	por @!p0 p3, p2;
	[sflag:s20] =	ssyncset.done @!p1 $0x0;
	s21 =	sshrl.u32 @!p0 s21, $0x9  }
0x9f: {  	[sflag:s20] =	ssyncadd.s32 @!p1 $0xFFFFF060;
	p1 =	por p2, p0;
	s20 =	sand.u32 @!p0 $0x7F, s21  }
0xa0: {  	s21 =	simm.s32 @!p1 $0x0;
	s22 =	simm.s32 @!p1 $0x140;
	s20 =	smul.u32 @!p0 $0x3, s20  }
0xa1: {  	[tilespmem:s22], [sflag:$0x5] =	stream.linear.gather @!p1 [hbm4b:s31+s21], $0xFA0, $0x38;
	[tilespmem:$0x1FDB0] =	vst v63  }
0xa2: {  	s20 =	ssub.s32 @!p0 s8, s20  }
0xa3: {  	p1 =	slt.u32 @!p0 s19, $0x4A;
	s21 =	smul.u32 @!p0 $0x50, s19;
	s20 =	sand.u32 @!p0 $0xFF, s20  }
0xa4: {  	s22 =	simm.s32 @!p0 $0x50;
	p1 =	por !p1, p0;
	s20 =	smul.u32 @!p0 $0xA000, s20  }
0xa5: {  	s22 =	simm.s32 @p1 $0xFFFFE8E0;
	p1 =	sgt.u32 @!p0 s19, $0x7A  }
0xa6: {  	s21 =	sadd.s32 @!p0 s22, s21;
	s22 =	simm.s32 @!p0 $0x50;
	s20 =	sshrl.u32 @!p0 s20, $0x2  }
0xa7: {  	p2 =	por p1, p0;
	s21 =	sadd.s32 @!p0 $0x140, s21;
	s20 =	sadd.s32 @!p0 $0x18B0, s20  }
0xa8: {  	[tilespmem:s20], [sflag:$0x1] =	stream.indirect.gather @!p0 [hbm4b:s1+s22], $0x80, s21, s22, $0xb8;
	[tilespmem:$0x1FDB0] =	vst v63  }
0xa9: {  	s23 =	smul.u32 $0xAB, s19;
	s20 =	sadd.s32 @!p2 $0x2, s19  }
0xaa: {  	s21 =	smul.u32 @!p2 $0x50, s20  }
0xab: {  	p1 =	por !p1, p0;
	s20 =	sand.u32 @!p2 $0x3, s20  }
0xac: {  	s22 =	sshrl.u32 s23, $0x9;
	s20 =	smul.u32 @!p2 $0x140, s20;
	s21 =	sadd.s32 @!p2 s7, s21  }
0xad: {  	s23 =	simm.s32 @!p2 $0x0;
	s22 =	sand.u32 $0x7F, s22;
	s21 =	sshrl.u32 @!p2 s21, $0x3  }
0xae: {  	s22 =	smul.u32 $0x3, s22;
	s20 =	sshrl.u32 @!p2 s20, $0x2;
	s21 =	sadd.s32 @!p2 s2, s21  }
0xaf: {  	[tilespmem:s20], [sflag:$0x4] =	stream.linear.gather @!p2 [hbm4b:s21+s23], $0x50, $0x38;
	[tilespmem:$0x1FDB0] =	vst v63  }
0xb0: {  	s8 =	simm.s32 @!p1 $0x7C;
	s23 =	ssub.s32 s19, s22;
	_ =	swait.ge [sflag:s16], $0x2800  }
0xb1: {  	s8 =	simm.s32 @p0 $0x7D;
	s20 =	sand.u32 $0xFF, s23;
	[sflag:s16] =	ssyncset.done $0x0  }
0xb2: {  	s19 =	sand.u32 $0x3, s19;
	s20 =	smul.u32 $0xA000, s20;
	[sflag:s16] =	ssyncadd.s32 $0xFFFFD800  }
0xb3: {  	p0 =	slt.u32 s8, $0x7D;
	s19 =	smul.u32 $0x140, s19;
	_ =	swait.ge [sflag:s17], $0x50  }
.Ltmp2:
0xb4: {  	s20 =	sshrl.u32 s20, $0x2;
	[sflag:s17] =	ssyncset.done $0x0;
	(pc) =	sbr.rel @p0 .LBB2_6-.Ltmp2, $4  }
0xb5: {  	s19 =	sshrl.u32 s19, $0x2;
	s20 =	sadd.s32 $0x18B0, s20;
	[sflag:s17] =	ssyncadd.s32 $0xFFFFFFB0  }
0xb6: {  	[spmem:s4] =	stream.indirect.scatter.add.f32 [tilespmem:s20], [sflag:$0x2], $0x80, s19, s0, $0xb8;
	[tilespmem:$0x1FDB0] =	vst v63  }
0xb7: {  	_ = 	snop  }
0xb8: {  	[spmem:s5] =	stream.indirect.scatter.add.f32 [tilespmem:s12], [sflag:$0x3], $0x10, s19, s0, $0xb8;
	[tilespmem:$0x1FDB0] =	vst v63  }
0xb9: {  	_ =	swait.ge [sflag:s13], $0x2800  }
0xba: {  	[sflag:s13] =	ssyncset.done $0x0  }
0xbb: {  	[sflag:s13] =	ssyncadd.s32 $0xFFFFD800  }
0xbc: {  	_ =	swait.ge [sflag:s14], $0x500  }
0xbd: {  	[sflag:s14] =	ssyncset.done $0x0  }
0xbe: {  	[sflag:s14] =	ssyncadd.s32 $0xFFFFFB00  }
0xbf: {  	_ =	swait.ge [sflag:s13], $0x2800  }
0xc0: {  	[sflag:s13] =	ssyncset.done $0x0  }
0xc1: {  	[sflag:s13] =	ssyncadd.s32 $0xFFFFD800  }
0xc2: {  	s8 =	stileid.u32;
	_ =	swait.ge [sflag:s14], $0x500  }
0xc3: {  	s20 =	sshrl.u32 s9, $0x3;
	s23 =	sshrl.u32 s10, $0x3;
	[sflag:s14] =	ssyncset.done $0x0  }
0xc4: {  	s18 =	sadd.s32 $0x1, s18;
	s8 =	sshll.u32 s8, $0x6;
	[sflag:s14] =	ssyncadd.s32 $0xFFFFFB00  }
0xc5: {  	s19 =	sor.u32 $0x1C02, s8;
	s8 =	sor.u32 $0x1C03, s8;
	[bflag:$0x0] =	sbarrier.arrive $0xFFFF  }
0xc6: {  	[hbm:s25], [sflag:s19] =	dma.local [spmem:s20], $0x2800  }
0xc7: {  	[hbm:s26], [sflag:s8] =	dma.local [spmem:s23], $0x500  }
0xc8: {  	p0 =	sne.s32 s18, s28;
	_ =	swait.ge [sflag:s13], $0x2800  }
.Ltmp3:
0xc9: {  	[sflag:s13] =	ssyncset.done $0x0;
	(pc) =	sbr.rel @p0 .LBB2_1-.Ltmp3, $4  }
0xca: {  	[sflag:s13] =	ssyncadd.s32 $0xFFFFD800  }
0xcb: {  	_ =	swait.ge [sflag:s14], $0x500  }
0xcc: {  	[sflag:s14] =	ssyncset.done $0x0  }
0xcd: {  	[sflag:s14] =	ssyncadd.s32 $0xFFFFFB00  }
0xce: {  	_ =	sfence.sel $0x180000  }
0xcf: {  	[bflag:$0x0] =	sbarrier.arrive $0xFFFF  }
0xd0: {  	_ =	strace $0x90000047  }
0xd1: {  	s0 =	stileid.u32;
	[bflag:$0x2] =	sbarrier.arrive $0xFFFF  }
0xd2: {  	p0 =	sne.s32 s0, $0x0;
	s0 =	rddreg [dreg:$0x5]  }
0xd3: {  	s0 =	sadd.s32 @!p0 $0x100000, s0  }
0xd4: {  	[sflag:s0] =	ssyncadd.tile.s32 @!p0 $0x1;
	_ =	shalt  }
.Lfunc_end2:
_tile_overlayer_lowered:
.L_overlay_start_2:
0xd5: {  	(tag) =	ssettag $0x2  }
0xd6: {  	s0 =	rddreg [dreg:$0x0];
	s2 =	stileid.u32  }
0xd7: {  	s1 =	rddreg [dreg:$0x1];
	p0 =	sne.s32 s2, $0x0  }
0xd8: {  	s3 =	rddreg [dreg:$0x2];
	[bflag:$0x3] =	sbarrier.arrive $0xFFFF;
	s2 =	simm.s32 @!p0 $0x1C06  }
0xd9: {  	[timem:s3], [sflag:s2] =	dma.local @!p0 [hbm:s0], s1  }
0xda: {  	s0 =	simm.s32 @!p0 $0x6  }
0xdb: {  	_ =	swait.ge @!p0 [sflag:s0], s1  }
0xdc: {  	s1 =	ssub.s32 @!p0 $0x0, s1;
	[sflag:s0] =	ssyncset.done @!p0 $0x0  }
0xdd: {  	[sflag:s0] =	ssyncadd.s32 @!p0 s1  }
0xde: {  	[bflag:$0x3] =	sbarrier.arrive $0xFFFF  }
0xdf: {  	_ =	shalt  }

</sc_bundles>
